<compile_context>
chip_gen: v7x
topology: tpu7x:2x2x1
jax: 0.10.2.dev20260603
libtpu: 0.0.44.dev20260713+nightly
codegen_flags: <defaults>
</compile_context>

<pallas_src>
import functools

import jax
import jax.numpy as jnp
from jax import lax
from jax.experimental import pallas as pl
from jax.experimental.pallas import tpu as pltpu
from jax.experimental.pallas import tpu_sc as plsc

_T = 6.1030338227611125
_CHUNK = 128
_NC, _NS = 2, 16
_DW = 16
_L = 16


def _cl(v):
    n2 = jnp.sum(v * v, axis=-1, keepdims=True)
    scale = jnp.where(n2 > _T * _T, _T * lax.rsqrt(n2), 1.0)
    return v * scale



def _dot_t(a, b):
    return lax.dot_general(a, b, (((1,), (1,)), ((), ())),
                           preferred_element_type=jnp.float32)


def _stage1_body(x_ref, w_ref, o_ref):
    t = _cl(x_ref[...])
    o_ref[...] = _cl(_dot_t(t, w_ref[...]))


def _stage_mid_body(a_ref, d_ref, w_ref, o_ref):
    inv = 1.0 / jnp.maximum(d_ref[...], 1.0)
    t = jnp.maximum(a_ref[...], 0.0) * inv
    o_ref[...] = _cl(_dot_t(t, w_ref[...]))


def _head_body(a_ref, d_ref, w2_ref, b2_ref, w3_ref, b3_ref, o_ref):
    inv = 1.0 / jnp.maximum(d_ref[...], 1.0)
    t = jnp.maximum(a_ref[...], 0.0) * inv
    t2 = jnp.maximum(_dot_t(t, w2_ref[...]) + b2_ref[...], 0.0)
    o = _dot_t(t2, w3_ref[...]) + b3_ref[...]
    m = jnp.max(o, axis=-1, keepdims=True)
    lse = jnp.log(jnp.sum(jnp.exp(o - m), axis=-1, keepdims=True)) + m
    o_ref[...] = o - lse


def _run_stage1(x_pad, W, bm, interpret=False):
    np_ = x_pad.shape[0]
    return pl.pallas_call(
        _stage1_body,
        grid=(np_ // bm,),
        in_specs=[pl.BlockSpec((bm, 128), lambda i: (i, 0)),
                  pl.BlockSpec((128, 128), lambda i: (0, 0))],
        out_specs=pl.BlockSpec((bm, 128), lambda i: (i, 0)),
        out_shape=jax.ShapeDtypeStruct((np_, 128), jnp.float32),
        interpret=interpret,
    )(x_pad, W)


def _run_stage_mid(agg, degp, W, bm, interpret=False):
    np_ = agg.shape[0]
    return pl.pallas_call(
        _stage_mid_body,
        grid=(np_ // bm,),
        in_specs=[pl.BlockSpec((bm, 128), lambda i: (i, 0)),
                  pl.BlockSpec((bm, 1), lambda i: (i, 0)),
                  pl.BlockSpec((128, 128), lambda i: (0, 0))],
        out_specs=pl.BlockSpec((bm, 128), lambda i: (i, 0)),
        out_shape=jax.ShapeDtypeStruct((np_, 128), jnp.float32),
        interpret=interpret,
    )(agg, degp, W)


def _run_head(agg, degp, w2, b2, w3, b3, bm, interpret=False):
    np_ = agg.shape[0]
    nh, nc = w2.shape[0], w3.shape[0]
    return pl.pallas_call(
        _head_body,
        grid=(np_ // bm,),
        in_specs=[pl.BlockSpec((bm, 128), lambda i: (i, 0)),
                  pl.BlockSpec((bm, 1), lambda i: (i, 0)),
                  pl.BlockSpec((nh, 128), lambda i: (0, 0)),
                  pl.BlockSpec((1, nh), lambda i: (0, 0)),
                  pl.BlockSpec((nc, nh), lambda i: (0, 0)),
                  pl.BlockSpec((1, nc), lambda i: (0, 0))],
        out_specs=pl.BlockSpec((bm, nc), lambda i: (i, 0)),
        out_shape=jax.ShapeDtypeStruct((np_, nc), jnp.float32),
        interpret=interpret,
    )(agg, degp, w2, b2, w3, b3)



def _make_sc_agg(np_, ep):
    half = np_ // _NC
    nacc = half + 128
    ept = ep // _NS
    nch = ept // _CHUNK
    zrows = nacc // _NS
    wrows = half // _NS

    mesh = plsc.VectorSubcoreMesh(core_axis_name="c", subcore_axis_name="s")

    @functools.partial(
        pl.kernel,
        mesh=mesh,
        out_type=jax.ShapeDtypeStruct((np_, 128), jnp.float32),
        scratch_types=[
            pltpu.VMEM((nch, _CHUNK), jnp.int32),
            pltpu.VMEM((nch, _CHUNK), jnp.int32),
            pltpu.VMEM((2, _CHUNK, 128), jnp.float32),
            pltpu.VMEM_SHARED((nacc, 128), jnp.float32),
            pltpu.SemaphoreType.DMA,
        ],
    )
    def agg_fn(u_hbm, src_hbm, dstc_hbm, z2_hbm, out_hbm,
               src_v, dst_v, rows_v, acc, sem):
        c = lax.axis_index("c")
        s = lax.axis_index("s")
        base = c * half

        pltpu.sync_copy(z2_hbm.at[pl.ds(s * zrows, zrows)],
                        acc.at[pl.ds(s * zrows, zrows)])

        pltpu.sync_copy(src_hbm.at[pl.ds(s * nch, nch)], src_v)
        pltpu.sync_copy(dstc_hbm.at[pl.ds((c * _NS + s) * nch, nch)], dst_v)

        plsc.subcore_barrier()

        pltpu.async_copy(u_hbm.at[src_v.at[0]], rows_v.at[0], sem)

        def step(j, _):
            jn = jnp.minimum(j + 1, nch - 1)
            pltpu.async_copy(u_hbm.at[src_v.at[jn]], rows_v.at[(j + 1) % 2], sem)
            pltpu.make_async_copy(u_hbm.at[src_v.at[j]], rows_v.at[j % 2],
                                  sem).wait()
            pltpu.sync_copy(rows_v.at[j % 2], acc.at[dst_v.at[j]], add=True)
            return 0
        lax.fori_loop(0, nch, step, 0)
        pltpu.make_async_copy(u_hbm.at[src_v.at[nch - 1]],
                              rows_v.at[nch % 2], sem).wait()

        plsc.subcore_barrier()

        pltpu.sync_copy(acc.at[pl.ds(s * wrows, wrows)],
                        out_hbm.at[pl.ds(base + s * wrows, wrows)])

    return agg_fn


def _make_sc_deg(np_, ep):
    half = np_ // _NC
    nacc = half + 128
    ept = ep // _NS
    nch = ept // _CHUNK
    zrows = nacc // _NS
    wrows = half // _NS

    mesh = plsc.VectorSubcoreMesh(core_axis_name="c", subcore_axis_name="s")

    @functools.partial(
        pl.kernel,
        mesh=mesh,
        out_type=jax.ShapeDtypeStruct((np_, 128), jnp.float32),
        scratch_types=[
            pltpu.VMEM((nch, _CHUNK), jnp.int32),
            pltpu.VMEM((_CHUNK, 128), jnp.float32),
            pltpu.VMEM_SHARED((nacc, 128), jnp.float32),
        ],
    )
    def deg_fn(dstc_hbm, ones_hbm, z2_hbm, out_hbm, dst_v, ones_v, dacc):
        c = lax.axis_index("c")
        s = lax.axis_index("s")
        base = c * half

        pltpu.sync_copy(z2_hbm.at[pl.ds(s * zrows, zrows)],
                        dacc.at[pl.ds(s * zrows, zrows)])
        pltpu.sync_copy(dstc_hbm.at[pl.ds((c * _NS + s) * nch, nch)], dst_v)
        pltpu.sync_copy(ones_hbm, ones_v)

        plsc.subcore_barrier()

        def step(j, _):
            pltpu.sync_copy(ones_v, dacc.at[dst_v.at[j]], add=True)
            return 0
        lax.fori_loop(0, nch, step, 0)

        plsc.subcore_barrier()

        pltpu.sync_copy(dacc.at[pl.ds(s * wrows, wrows)],
                        out_hbm.at[pl.ds(base + s * wrows, wrows)])

    return deg_fn



def kernel(x, edge_index, W1, b1, W2, b2, W3, b3, lin2_w, lin2_b, lin3_w, lin3_b):
    n, f = x.shape
    e = edge_index.shape[1]
    np_ = ((n + 255) // 256) * 256
    epad = ((e + 16383) // 16384) * 16384
    bm = np_ // 16

    src = edge_index[0].astype(jnp.int32)
    dst = edge_index[1].astype(jnp.int32)
    pad = epad - e
    src2d = jnp.concatenate([src, jnp.zeros((pad,), jnp.int32)]).reshape(-1, _CHUNK)
    dstp = jnp.concatenate([dst, jnp.full((pad,), n, jnp.int32)])
    half = np_ // _NC
    d0 = jnp.where(dstp < half, dstp, half)
    d1 = jnp.where(dstp >= half, dstp - half, half)
    dstc = jnp.concatenate([d0, d1]).reshape(-1, _CHUNK)

    x_pad = jnp.pad(x, ((0, np_ - n), (0, 0)))
    z2 = jnp.zeros((half + 128, 128), jnp.float32)

    sc_agg = _make_sc_agg(np_, epad)
    sc_deg = _make_sc_deg(np_, epad)

    ones = jnp.ones((_CHUNK, 128), jnp.float32)
    degw = sc_deg(dstc, ones, z2)
    degp = degw[:, :1]

    u = _run_stage1(x_pad, W1, bm)
    agg = sc_agg(u, src2d, dstc, z2)
    u = _run_stage_mid(agg, degp, W2, bm)
    agg = sc_agg(u, src2d, dstc, z2)
    u = _run_stage_mid(agg, degp, W3, bm)
    agg = sc_agg(u, src2d, dstc, z2)
    out = _run_head(agg, degp, lin2_w, lin2_b.reshape(1, -1),
                    lin3_w, lin3_b.reshape(1, -1), bm)
    return out[:n]

# --- scband reference (transcript-rebuilt; emitter-appended) ---
"""Pipeline reference for scband-server-hgcn-21964462752541 (READ-ONLY COPY).

The authoritative reference and input builder live on the scoring server;
editing this copy changes nothing except your own understanding.
"""

import jax, jax.numpy as jnp
import numpy as np

C = 1.0
EPS = 1e-15

def _norm(x):
    return jnp.clip(jnp.linalg.norm(x, axis=-1, keepdims=True), EPS, None)

def proj(x):
    norm = _norm(x)
    maxnorm = (1.0 - 1e-5) / jnp.sqrt(C)
    return jnp.where(norm > maxnorm, x / norm * maxnorm, x)

def expmap0(u):
    sqrt_c = jnp.sqrt(C)
    un = _norm(u)
    return jnp.tanh(sqrt_c * un) * u / (sqrt_c * un)

def logmap0(x):
    sqrt_c = jnp.sqrt(C)
    xn = jnp.clip(_norm(x), EPS, (1.0 - 1e-5) / sqrt_c)
    return jnp.arctanh(sqrt_c * xn) * x / (sqrt_c * xn)

def mobius_add(x, y):
    x2 = jnp.sum(x * x, axis=-1, keepdims=True)
    y2 = jnp.sum(y * y, axis=-1, keepdims=True)
    xy = jnp.sum(x * y, axis=-1, keepdims=True)
    num = (1.0 + 2.0 * C * xy + C * y2) * x + (1.0 - C * x2) * y
    den = 1.0 + 2.0 * C * xy + C * C * x2 * y2
    return num / jnp.clip(den, EPS, None)

def hyp_linear(x, W, b):
    mv = logmap0(x) @ W.T  # mobius_matvec = expmap0(logmap0(x) @ W^T)
    res = proj(expmap0(mv))
    hyp_bias = proj(expmap0(b.reshape(1, -1)))
    return proj(mobius_add(res, hyp_bias))

def hyp_agg(x, src, dst, n):
    xt = logmap0(x)
    msg = xt[src]  # gather over edges
    agg = jax.ops.segment_sum(msg, dst, num_segments=n)  # scatter-add
    deg = jax.ops.segment_sum(jnp.ones((src.shape[0],), x.dtype), dst, num_segments=n)
    agg = agg / jnp.clip(deg, 1.0, None)[:, None]
    return proj(expmap0(agg))

def hyp_act(x):
    return proj(expmap0(jax.nn.relu(logmap0(x))))

def hgcn_layer(x, W, b, src, dst, n):
    h = hyp_linear(x, W, b)
    h = hyp_agg(h, src, dst, n)
    return hyp_act(h)

def setup_inputs(seed: int = 0) -> dict:
    key = jax.random.key(seed)
    ks = jax.random.split(key, 12)
    N, E, nfeat, nhid, nclass = 10000, 320000, 128, 128, 16
    x = jax.random.normal(ks[0], (N, nfeat), dtype=jnp.float32)
    edge_index = jax.random.randint(ks[1], (2, E), 0, N, dtype=jnp.int64)
    W1 = jax.random.normal(ks[2], (nhid, nfeat), dtype=jnp.float32) / np.sqrt(nfeat)
    b1 = jnp.zeros((nhid,), dtype=jnp.float32)
    W2 = jax.random.normal(ks[3], (nhid, nhid), dtype=jnp.float32) / np.sqrt(nhid)
    b2 = jnp.zeros((nhid,), dtype=jnp.float32)
    W3 = jax.random.normal(ks[4], (nhid, nhid), dtype=jnp.float32) / np.sqrt(nhid)
    b3 = jnp.zeros((nhid,), dtype=jnp.float32)
    lin2_w = jax.random.normal(ks[5], (nhid // 2, nhid), dtype=jnp.float32) / np.sqrt(nhid)
    lin2_b = jnp.zeros((nhid // 2,), dtype=jnp.float32)
    lin3_w = jax.random.normal(ks[6], (nclass, nhid // 2), dtype=jnp.float32) / np.sqrt(nhid // 2)
    lin3_b = jnp.zeros((nclass,), dtype=jnp.float32)
    return {"x": x, "edge_index": edge_index, "W1": W1, "b1": b1, "W2": W2, "b2": b2, "W3": W3, "b3": b3, "lin2_w": lin2_w, "lin2_b": lin2_b, "lin3_w": lin3_w, "lin3_b": lin3_b}

def reference(x, edge_index, W1, b1, W2, b2, W3, b3, lin2_w, lin2_b, lin3_w, lin3_b):
    n = x.shape[0]
    src = edge_index[0]
    dst = edge_index[1]
    h = proj(expmap0(x))  # map Euclidean features to Poincare ball
    h = hgcn_layer(h, W1, b1, src, dst, n)
    h = hgcn_layer(h, W2, b2, src, dst, n)
    h = hgcn_layer(h, W3, b3, src, dst, n)
    t = logmap0(h)  # back to tangent space for Euclidean head
    t = jax.nn.relu(t @ lin2_w.T + lin2_b)
    out = t @ lin3_w.T + lin3_b
    return jax.nn.log_softmax(out, axis=-1)

if __name__ == "__main__":
    import jax
    _d = setup_inputs()
    print(jax.jit(kernel)(*tuple(_d.values())))

</pallas_src>

<mosaic_0001>
#map = affine_map<(d0, d1) -> (0, 0)>
module attributes {stable_mosaic.version = 14 : i64} {
  func.func @agg_fn(%arg0: i32, %arg1: i32, %arg2: memref<10240x128xf32, #tpu.memory_space<hbm>>, %arg3: memref<2560x128xi32, #tpu.memory_space<hbm>>, %arg4: memref<5120x128xi32, #tpu.memory_space<hbm>>, %arg5: memref<5248x128xf32, #tpu.memory_space<hbm>>, %arg6: memref<10240x128xf32, #tpu.memory_space<hbm>>, %arg7: memref<160x128xi32, #tpu.memory_space<vmem>>, %arg8: memref<160x128xi32, #tpu.memory_space<vmem>>, %arg9: memref<2x128x128xf32, #tpu.memory_space<vmem>>, %arg10: memref<5248x128xf32, #tpu.memory_space<vmem_shared>>, %arg11: memref<!tpu.dma_semaphore, #tpu.memory_space<semaphore_mem>>) attributes {dimension_semantics = [#tpu.dimension_semantics<core_parallel>, #tpu.dimension_semantics<subcore_parallel>], iteration_bounds = array<i64: 2, 16>, scalar_prefetch = 0 : i64, scratch_operands = 5 : i64, tpu.core_type = #tpu.core_type<sc_vector_subcore>, window_params = [{transform_indices = #map}, {transform_indices = #map}, {transform_indices = #map}, {transform_indices = #map}, {transform_indices = #map}]} {
    %mul3A = arith.constant 5120 : i32
    %mul3A_0 = arith.muli %arg0, %mul3A : i32
    %mul3A_1 = arith.constant 328 : i32
    %mul3A_2 = arith.muli %arg1, %mul3A_1 : i32
    %mul3A_3 = arith.constant 328 : i32
    %mul3A_4 = arith.muli %arg1, %mul3A_3 : i32
    "tpu.region"() ({
      %run_scoped3A = tpu.sem_alloc : memref<!tpu.dma_semaphore, #tpu.memory_space<semaphore_mem>>
      %dma_start3A_45 = arith.constant 0 : i32
      %dma_start3A_46 = tpu.memref_slice %arg10[%mul3A_4, %dma_start3A_45] : memref<5248x128xf32, #tpu.memory_space<vmem_shared>> -> memref<328x128xf32, #tpu.memory_space<vmem_shared>>
      %dma_start3A_47 = arith.constant 0 : i32
      %dma_start3A_48 = tpu.memref_slice %arg5[%mul3A_2, %dma_start3A_47] : memref<5248x128xf32, #tpu.memory_space<hbm>> -> memref<328x128xf32, #tpu.memory_space<hbm>>
      tpu.enqueue_dma source(%dma_start3A_48 : memref<328x128xf32, #tpu.memory_space<hbm>>) target(%dma_start3A_46 : memref<328x128xf32, #tpu.memory_space<vmem_shared>>) target_semaphore(%run_scoped3A : memref<!tpu.dma_semaphore, #tpu.memory_space<semaphore_mem>>)
      %dma_wait3A_49 = arith.constant 0 : i32
      %dma_wait3A_50 = tpu.memref_slice %arg10[%mul3A_4, %dma_wait3A_49] : memref<5248x128xf32, #tpu.memory_space<vmem_shared>> -> memref<328x128xf32, #tpu.memory_space<vmem_shared>>
      %dma_wait3A_51 = arith.constant 0 : i32
      %dma_wait3A_52 = tpu.memref_slice %arg5[%mul3A_2, %dma_wait3A_51] : memref<5248x128xf32, #tpu.memory_space<hbm>> -> memref<328x128xf32, #tpu.memory_space<hbm>>
      tpu.wait_dma2 semaphore(%run_scoped3A : memref<!tpu.dma_semaphore, #tpu.memory_space<semaphore_mem>>) src(%dma_wait3A_52 : memref<328x128xf32, #tpu.memory_space<hbm>>) dst(%dma_wait3A_50 : memref<328x128xf32, #tpu.memory_space<vmem_shared>>)
      tpu.yield
    }) : () -> ()
    %mul3A_5 = arith.constant 160 : i32
    %mul3A_6 = arith.muli %arg1, %mul3A_5 : i32
    "tpu.region"() ({
      %run_scoped3A = tpu.sem_alloc : memref<!tpu.dma_semaphore, #tpu.memory_space<semaphore_mem>>
      %dma_start3A_45 = arith.constant 0 : i32
      %dma_start3A_46 = tpu.memref_slice %arg3[%mul3A_6, %dma_start3A_45] : memref<2560x128xi32, #tpu.memory_space<hbm>> -> memref<160x128xi32, #tpu.memory_space<hbm>>
      %dma_start3A_47 = arith.constant 0 : i32
      %dma_start3A_48 = tpu.memref_slice %arg3[%mul3A_6, %dma_start3A_47] : memref<2560x128xi32, #tpu.memory_space<hbm>> -> memref<160x128xi32, #tpu.memory_space<hbm>>
      tpu.enqueue_dma source(%dma_start3A_48 : memref<160x128xi32, #tpu.memory_space<hbm>>) target(%arg7 : memref<160x128xi32, #tpu.memory_space<vmem>>) target_semaphore(%run_scoped3A : memref<!tpu.dma_semaphore, #tpu.memory_space<semaphore_mem>>)
      %dma_wait3A_49 = arith.constant 0 : i32
      %dma_wait3A_50 = tpu.memref_slice %arg3[%mul3A_6, %dma_wait3A_49] : memref<2560x128xi32, #tpu.memory_space<hbm>> -> memref<160x128xi32, #tpu.memory_space<hbm>>
      %dma_wait3A_51 = arith.constant 0 : i32
      %dma_wait3A_52 = tpu.memref_slice %arg3[%mul3A_6, %dma_wait3A_51] : memref<2560x128xi32, #tpu.memory_space<hbm>> -> memref<160x128xi32, #tpu.memory_space<hbm>>
      tpu.wait_dma2 semaphore(%run_scoped3A : memref<!tpu.dma_semaphore, #tpu.memory_space<semaphore_mem>>) src(%dma_wait3A_52 : memref<160x128xi32, #tpu.memory_space<hbm>>) dst(%arg7 : memref<160x128xi32, #tpu.memory_space<vmem>>)
      tpu.yield
    }) : () -> ()
    %mul3A_7 = arith.constant 16 : i32
    %mul3A_8 = arith.muli %arg0, %mul3A_7 : i32
    %add3A = arith.addi %mul3A_8, %arg1 : i32
    %mul3A_9 = arith.constant 160 : i32
    %mul3A_10 = arith.muli %add3A, %mul3A_9 : i32
    "tpu.region"() ({
      %run_scoped3A = tpu.sem_alloc : memref<!tpu.dma_semaphore, #tpu.memory_space<semaphore_mem>>
      %dma_start3A_45 = arith.constant 0 : i32
      %dma_start3A_46 = tpu.memref_slice %arg4[%mul3A_10, %dma_start3A_45] : memref<5120x128xi32, #tpu.memory_space<hbm>> -> memref<160x128xi32, #tpu.memory_space<hbm>>
      %dma_start3A_47 = arith.constant 0 : i32
      %dma_start3A_48 = tpu.memref_slice %arg4[%mul3A_10, %dma_start3A_47] : memref<5120x128xi32, #tpu.memory_space<hbm>> -> memref<160x128xi32, #tpu.memory_space<hbm>>
      tpu.enqueue_dma source(%dma_start3A_48 : memref<160x128xi32, #tpu.memory_space<hbm>>) target(%arg8 : memref<160x128xi32, #tpu.memory_space<vmem>>) target_semaphore(%run_scoped3A : memref<!tpu.dma_semaphore, #tpu.memory_space<semaphore_mem>>)
      %dma_wait3A_49 = arith.constant 0 : i32
      %dma_wait3A_50 = tpu.memref_slice %arg4[%mul3A_10, %dma_wait3A_49] : memref<5120x128xi32, #tpu.memory_space<hbm>> -> memref<160x128xi32, #tpu.memory_space<hbm>>
      %dma_wait3A_51 = arith.constant 0 : i32
      %dma_wait3A_52 = tpu.memref_slice %arg4[%mul3A_10, %dma_wait3A_51] : memref<5120x128xi32, #tpu.memory_space<hbm>> -> memref<160x128xi32, #tpu.memory_space<hbm>>
      tpu.wait_dma2 semaphore(%run_scoped3A : memref<!tpu.dma_semaphore, #tpu.memory_space<semaphore_mem>>) src(%dma_wait3A_52 : memref<160x128xi32, #tpu.memory_space<hbm>>) dst(%arg8 : memref<160x128xi32, #tpu.memory_space<vmem>>)
      tpu.yield
    }) : () -> ()
    %barrier3A = arith.constant 0 : index
    tpu.barrier barrier_id(%barrier3A)
    %dma_start3A = arith.constant 0 : i32
    %dma_start3A_11 = arith.constant 0 : i32
    %dma_start3A_12 = arith.constant 0 : i32
    %dma_start3A_13 = arith.constant 0 : i32
    %dma_start3A_14 = tpu.memref_slice %arg9[%dma_start3A_11, %dma_start3A_12, %dma_start3A_13] : memref<2x128x128xf32, #tpu.memory_space<vmem>> -> memref<1x128x128xf32, #tpu.memory_space<vmem>>
    %dma_start3A_15 = tpu.memref_squeeze %dma_start3A_14 : memref<1x128x128xf32, #tpu.memory_space<vmem>> -> memref<128x128xf32, #tpu.memory_space<vmem>>
    %dma_start3A_16 = arith.constant 0 : i32
    %dma_start3A_17 = tpu.memref_slice %arg7[%dma_start3A, %dma_start3A_16] : memref<160x128xi32, #tpu.memory_space<vmem>> -> memref<1x128xi32, #tpu.memory_space<vmem>>
    %dma_start3A_18 = tpu.memref_squeeze %dma_start3A_17 : memref<1x128xi32, #tpu.memory_space<vmem>> -> memref<128xi32, #tpu.memory_space<vmem>>
    %dma_start3A_19 = arith.constant 0 : i32
    %dma_start3A_20 = arith.constant 0 : i32
    %dma_start3A_21 = tpu.memref_slice %arg2[%dma_start3A_19, %dma_start3A_20] : memref<10240x128xf32, #tpu.memory_space<hbm>> -> memref<10240x128xf32, #tpu.memory_space<hbm>>
    tpu.enqueue_indirect_dma source(%dma_start3A_21 : memref<10240x128xf32, #tpu.memory_space<hbm>>) target(%dma_start3A_15 : memref<128x128xf32, #tpu.memory_space<vmem>>) offsets(%dma_start3A_18 : memref<128xi32, #tpu.memory_space<vmem>>) semaphore(%arg11 : memref<!tpu.dma_semaphore, #tpu.memory_space<semaphore_mem>>)
    %scan3A = arith.constant 0 : i32
    %scan3A_22 = arith.constant 0 : i32
    %scan3A_23 = arith.constant 160 : i32
    %scan3A_24 = arith.addi %scan3A_22, %scan3A_23 : i32
    %scan3A_25 = arith.constant 1 : i32
    %scan3A_26 = scf.for %scan3A_45 = %scan3A_22 to %scan3A_24 step %scan3A_25 iter_args(%scan3A_46 = %scan3A) -> (i32)  : i32 {
      %add3A_47 = arith.constant 1 : i32
      %add3A_48 = arith.addi %scan3A_45, %add3A_47 : i32
      %min3A = arith.constant 159 : i32
      %min3A_49 = arith.minsi %add3A_48, %min3A : i32
      %add3A_50 = arith.constant 1 : i32
      %add3A_51 = arith.addi %scan3A_45, %add3A_50 : i32
      %jit3A = arith.constant 2 : i32
      %eq3A = arith.constant 0 : i32
      %eq3A_52 = arith.cmpi eq, %jit3A, %eq3A : i32
      %jit3A_53 = arith.constant 1 : i32
      %select_n3A = arith.select %eq3A_52, %jit3A_53, %jit3A : i32
      %rem3A = arith.remsi %add3A_51, %select_n3A : i32
      %ne3A = arith.constant 0 : i32
      %ne3A_54 = arith.cmpi ne, %rem3A, %ne3A : i32
      %lt3A = arith.constant 0 : i32
      %lt3A_55 = arith.cmpi slt, %rem3A, %lt3A : i32
      %lt3A_56 = arith.constant 0 : i32
      %lt3A_57 = arith.cmpi slt, %select_n3A, %lt3A_56 : i32
      %ne3A_58 = arith.xori %lt3A_55, %lt3A_57 : i1
      %and3A = arith.andi %ne3A_58, %ne3A_54 : i1
      %add3A_59 = arith.addi %rem3A, %select_n3A : i32
      %select_n3A_60 = arith.select %and3A, %add3A_59, %rem3A : i32
      %dma_start3A_61 = arith.constant 0 : i32
      %dma_start3A_62 = arith.constant 0 : i32
      %dma_start3A_63 = tpu.memref_slice %arg9[%select_n3A_60, %dma_start3A_61, %dma_start3A_62] : memref<2x128x128xf32, #tpu.memory_space<vmem>> -> memref<1x128x128xf32, #tpu.memory_space<vmem>>
      %dma_start3A_64 = tpu.memref_squeeze %dma_start3A_63 : memref<1x128x128xf32, #tpu.memory_space<vmem>> -> memref<128x128xf32, #tpu.memory_space<vmem>>
      %dma_start3A_65 = arith.constant 0 : i32
      %dma_start3A_66 = tpu.memref_slice %arg7[%min3A_49, %dma_start3A_65] : memref<160x128xi32, #tpu.memory_space<vmem>> -> memref<1x128xi32, #tpu.memory_space<vmem>>
      %dma_start3A_67 = tpu.memref_squeeze %dma_start3A_66 : memref<1x128xi32, #tpu.memory_space<vmem>> -> memref<128xi32, #tpu.memory_space<vmem>>
      %dma_start3A_68 = arith.constant 0 : i32
      %dma_start3A_69 = arith.constant 0 : i32
      %dma_start3A_70 = tpu.memref_slice %arg2[%dma_start3A_68, %dma_start3A_69] : memref<10240x128xf32, #tpu.memory_space<hbm>> -> memref<10240x128xf32, #tpu.memory_space<hbm>>
      tpu.enqueue_indirect_dma source(%dma_start3A_70 : memref<10240x128xf32, #tpu.memory_space<hbm>>) target(%dma_start3A_64 : memref<128x128xf32, #tpu.memory_space<vmem>>) offsets(%dma_start3A_67 : memref<128xi32, #tpu.memory_space<vmem>>) semaphore(%arg11 : memref<!tpu.dma_semaphore, #tpu.memory_space<semaphore_mem>>)
      %jit3A_71 = arith.constant 2 : i32
      %eq3A_72 = arith.constant 0 : i32
      %eq3A_73 = arith.cmpi eq, %jit3A_71, %eq3A_72 : i32
      %jit3A_74 = arith.constant 1 : i32
      %select_n3A_75 = arith.select %eq3A_73, %jit3A_74, %jit3A_71 : i32
      %rem3A_76 = arith.remsi %scan3A_45, %select_n3A_75 : i32
      %ne3A_77 = arith.constant 0 : i32
      %ne3A_78 = arith.cmpi ne, %rem3A_76, %ne3A_77 : i32
      %lt3A_79 = arith.constant 0 : i32
      %lt3A_80 = arith.cmpi slt, %rem3A_76, %lt3A_79 : i32
      %lt3A_81 = arith.constant 0 : i32
      %lt3A_82 = arith.cmpi slt, %select_n3A_75, %lt3A_81 : i32
      %ne3A_83 = arith.xori %lt3A_80, %lt3A_82 : i1
      %and3A_84 = arith.andi %ne3A_83, %ne3A_78 : i1
      %add3A_85 = arith.addi %rem3A_76, %select_n3A_75 : i32
      %select_n3A_86 = arith.select %and3A_84, %add3A_85, %rem3A_76 : i32
      %dma_wait3A_87 = arith.constant 0 : i32
      %dma_wait3A_88 = arith.constant 0 : i32
      %dma_wait3A_89 = tpu.memref_slice %arg9[%select_n3A_86, %dma_wait3A_87, %dma_wait3A_88] : memref<2x128x128xf32, #tpu.memory_space<vmem>> -> memref<1x128x128xf32, #tpu.memory_space<vmem>>
      %dma_wait3A_90 = tpu.memref_squeeze %dma_wait3A_89 : memref<1x128x128xf32, #tpu.memory_space<vmem>> -> memref<128x128xf32, #tpu.memory_space<vmem>>
      %dma_wait3A_91 = arith.constant 0 : i32
      %dma_wait3A_92 = tpu.memref_slice %arg7[%scan3A_45, %dma_wait3A_91] : memref<160x128xi32, #tpu.memory_space<vmem>> -> memref<1x128xi32, #tpu.memory_space<vmem>>
      %dma_wait3A_93 = tpu.memref_squeeze %dma_wait3A_92 : memref<1x128xi32, #tpu.memory_space<vmem>> -> memref<128xi32, #tpu.memory_space<vmem>>
      %dma_wait3A_94 = arith.constant 0 : i32
      %dma_wait3A_95 = arith.constant 0 : i32
      %dma_wait3A_96 = tpu.memref_slice %arg2[%dma_wait3A_94, %dma_wait3A_95] : memref<10240x128xf32, #tpu.memory_space<hbm>> -> memref<10240x128xf32, #tpu.memory_space<hbm>>
      tpu.wait_indirect_dma semaphore(%arg11 : memref<!tpu.dma_semaphore, #tpu.memory_space<semaphore_mem>>) src(%dma_wait3A_96 : memref<10240x128xf32, #tpu.memory_space<hbm>>) dst(%dma_wait3A_90 : memref<128x128xf32, #tpu.memory_space<vmem>>)
      %jit3A_97 = arith.constant 2 : i32
      %eq3A_98 = arith.constant 0 : i32
      %eq3A_99 = arith.cmpi eq, %jit3A_97, %eq3A_98 : i32
      %jit3A_100 = arith.constant 1 : i32
      %select_n3A_101 = arith.select %eq3A_99, %jit3A_100, %jit3A_97 : i32
      %rem3A_102 = arith.remsi %scan3A_45, %select_n3A_101 : i32
      %ne3A_103 = arith.constant 0 : i32
      %ne3A_104 = arith.cmpi ne, %rem3A_102, %ne3A_103 : i32
      %lt3A_105 = arith.constant 0 : i32
      %lt3A_106 = arith.cmpi slt, %rem3A_102, %lt3A_105 : i32
      %lt3A_107 = arith.constant 0 : i32
      %lt3A_108 = arith.cmpi slt, %select_n3A_101, %lt3A_107 : i32
      %ne3A_109 = arith.xori %lt3A_106, %lt3A_108 : i1
      %and3A_110 = arith.andi %ne3A_109, %ne3A_104 : i1
      %add3A_111 = arith.addi %rem3A_102, %select_n3A_101 : i32
      %select_n3A_112 = arith.select %and3A_110, %add3A_111, %rem3A_102 : i32
      "tpu.region"() ({
        %run_scoped3A = tpu.sem_alloc : memref<!tpu.dma_semaphore, #tpu.memory_space<semaphore_mem>>
        %dma_start3A_114 = arith.constant 0 : i32
        %dma_start3A_115 = arith.constant 0 : i32
        %dma_start3A_116 = tpu.memref_slice %arg9[%select_n3A_112, %dma_start3A_114, %dma_start3A_115] : memref<2x128x128xf32, #tpu.memory_space<vmem>> -> memref<1x128x128xf32, #tpu.memory_space<vmem>>
        %dma_start3A_117 = tpu.memref_squeeze %dma_start3A_116 : memref<1x128x128xf32, #tpu.memory_space<vmem>> -> memref<128x128xf32, #tpu.memory_space<vmem>>
        %dma_start3A_118 = arith.constant 0 : i32
        %dma_start3A_119 = tpu.memref_slice %arg8[%scan3A_45, %dma_start3A_118] : memref<160x128xi32, #tpu.memory_space<vmem>> -> memref<1x128xi32, #tpu.memory_space<vmem>>
        %dma_start3A_120 = tpu.memref_squeeze %dma_start3A_119 : memref<1x128xi32, #tpu.memory_space<vmem>> -> memref<128xi32, #tpu.memory_space<vmem>>
        %dma_start3A_121 = arith.constant 0 : i32
        %dma_start3A_122 = arith.constant 0 : i32
        %dma_start3A_123 = tpu.memref_slice %arg10[%dma_start3A_121, %dma_start3A_122] : memref<5248x128xf32, #tpu.memory_space<vmem_shared>> -> memref<5248x128xf32, #tpu.memory_space<vmem_shared>>
        tpu.enqueue_indirect_dma source(%dma_start3A_117 : memref<128x128xf32, #tpu.memory_space<vmem>>) target(%dma_start3A_123 : memref<5248x128xf32, #tpu.memory_space<vmem_shared>>) offsets(%dma_start3A_120 : memref<128xi32, #tpu.memory_space<vmem>>) semaphore(%run_scoped3A : memref<!tpu.dma_semaphore, #tpu.memory_space<semaphore_mem>>) {add = true}
        %dma_wait3A_124 = arith.constant 0 : i32
        %dma_wait3A_125 = arith.constant 0 : i32
        %dma_wait3A_126 = tpu.memref_slice %arg9[%select_n3A_112, %dma_wait3A_124, %dma_wait3A_125] : memref<2x128x128xf32, #tpu.memory_space<vmem>> -> memref<1x128x128xf32, #tpu.memory_space<vmem>>
        %dma_wait3A_127 = tpu.memref_squeeze %dma_wait3A_126 : memref<1x128x128xf32, #tpu.memory_space<vmem>> -> memref<128x128xf32, #tpu.memory_space<vmem>>
        %dma_wait3A_128 = arith.constant 0 : i32
        %dma_wait3A_129 = tpu.memref_slice %arg8[%scan3A_45, %dma_wait3A_128] : memref<160x128xi32, #tpu.memory_space<vmem>> -> memref<1x128xi32, #tpu.memory_space<vmem>>
        %dma_wait3A_130 = tpu.memref_squeeze %dma_wait3A_129 : memref<1x128xi32, #tpu.memory_space<vmem>> -> memref<128xi32, #tpu.memory_space<vmem>>
        %dma_wait3A_131 = arith.constant 0 : i32
        %dma_wait3A_132 = arith.constant 0 : i32
        %dma_wait3A_133 = tpu.memref_slice %arg10[%dma_wait3A_131, %dma_wait3A_132] : memref<5248x128xf32, #tpu.memory_space<vmem_shared>> -> memref<5248x128xf32, #tpu.memory_space<vmem_shared>>
        tpu.wait_indirect_dma semaphore(%run_scoped3A : memref<!tpu.dma_semaphore, #tpu.memory_space<semaphore_mem>>) src(%dma_wait3A_127 : memref<128x128xf32, #tpu.memory_space<vmem>>) dst(%dma_wait3A_133 : memref<5248x128xf32, #tpu.memory_space<vmem_shared>>)
        tpu.yield
      }) : () -> ()
      %scan3A_113 = arith.constant 0 : i32
      scf.yield %scan3A_113 : i32
    }
    %scan3A_27 = arith.constant 160 : i32
    %dma_wait3A = arith.constant 159 : i32
    %dma_wait3A_28 = arith.constant 0 : i32
    %dma_wait3A_29 = arith.constant 0 : i32
    %dma_wait3A_30 = arith.constant 0 : i32
    %dma_wait3A_31 = tpu.memref_slice %arg9[%dma_wait3A_28, %dma_wait3A_29, %dma_wait3A_30] : memref<2x128x128xf32, #tpu.memory_space<vmem>> -> memref<1x128x128xf32, #tpu.memory_space<vmem>>
    %dma_wait3A_32 = tpu.memref_squeeze %dma_wait3A_31 : memref<1x128x128xf32, #tpu.memory_space<vmem>> -> memref<128x128xf32, #tpu.memory_space<vmem>>
    %dma_wait3A_33 = arith.constant 0 : i32
    %dma_wait3A_34 = tpu.memref_slice %arg7[%dma_wait3A, %dma_wait3A_33] : memref<160x128xi32, #tpu.memory_space<vmem>> -> memref<1x128xi32, #tpu.memory_space<vmem>>
    %dma_wait3A_35 = tpu.memref_squeeze %dma_wait3A_34 : memref<1x128xi32, #tpu.memory_space<vmem>> -> memref<128xi32, #tpu.memory_space<vmem>>
    %dma_wait3A_36 = arith.constant 0 : i32
    %dma_wait3A_37 = arith.constant 0 : i32
    %dma_wait3A_38 = tpu.memref_slice %arg2[%dma_wait3A_36, %dma_wait3A_37] : memref<10240x128xf32, #tpu.memory_space<hbm>> -> memref<10240x128xf32, #tpu.memory_space<hbm>>
    tpu.wait_indirect_dma semaphore(%arg11 : memref<!tpu.dma_semaphore, #tpu.memory_space<semaphore_mem>>) src(%dma_wait3A_38 : memref<10240x128xf32, #tpu.memory_space<hbm>>) dst(%dma_wait3A_32 : memref<128x128xf32, #tpu.memory_space<vmem>>)
    %barrier3A_39 = arith.constant 0 : index
    tpu.barrier barrier_id(%barrier3A_39)
    %mul3A_40 = arith.constant 320 : i32
    %mul3A_41 = arith.muli %arg1, %mul3A_40 : i32
    %mul3A_42 = arith.constant 320 : i32
    %mul3A_43 = arith.muli %arg1, %mul3A_42 : i32
    %add3A_44 = arith.addi %mul3A_0, %mul3A_43 : i32
    "tpu.region"() ({
      %run_scoped3A = tpu.sem_alloc : memref<!tpu.dma_semaphore, #tpu.memory_space<semaphore_mem>>
      %dma_start3A_45 = arith.constant 0 : i32
      %dma_start3A_46 = tpu.memref_slice %arg6[%add3A_44, %dma_start3A_45] : memref<10240x128xf32, #tpu.memory_space<hbm>> -> memref<320x128xf32, #tpu.memory_space<hbm>>
      %dma_start3A_47 = arith.constant 0 : i32
      %dma_start3A_48 = tpu.memref_slice %arg10[%mul3A_41, %dma_start3A_47] : memref<5248x128xf32, #tpu.memory_space<vmem_shared>> -> memref<320x128xf32, #tpu.memory_space<vmem_shared>>
      tpu.enqueue_dma source(%dma_start3A_48 : memref<320x128xf32, #tpu.memory_space<vmem_shared>>) target(%dma_start3A_46 : memref<320x128xf32, #tpu.memory_space<hbm>>) target_semaphore(%run_scoped3A : memref<!tpu.dma_semaphore, #tpu.memory_space<semaphore_mem>>)
      %dma_wait3A_49 = arith.constant 0 : i32
      %dma_wait3A_50 = tpu.memref_slice %arg6[%add3A_44, %dma_wait3A_49] : memref<10240x128xf32, #tpu.memory_space<hbm>> -> memref<320x128xf32, #tpu.memory_space<hbm>>
      %dma_wait3A_51 = arith.constant 0 : i32
      %dma_wait3A_52 = tpu.memref_slice %arg10[%mul3A_41, %dma_wait3A_51] : memref<5248x128xf32, #tpu.memory_space<vmem_shared>> -> memref<320x128xf32, #tpu.memory_space<vmem_shared>>
      tpu.wait_dma2 semaphore(%run_scoped3A : memref<!tpu.dma_semaphore, #tpu.memory_space<semaphore_mem>>) src(%dma_wait3A_52 : memref<320x128xf32, #tpu.memory_space<vmem_shared>>) dst(%dma_wait3A_50 : memref<320x128xf32, #tpu.memory_space<hbm>>)
      tpu.yield
    }) : () -> ()
    return
  }
}

#map = affine_map<(d0, d1) -> (0, 0)>
module attributes {stable_mosaic.version = 14 : i64} {
  func.func @agg_fn(%arg0: i32, %arg1: i32, %arg2: memref<10240x128xf32, #tpu.memory_space<hbm>>, %arg3: memref<2560x128xi32, #tpu.memory_space<hbm>>, %arg4: memref<5120x128xi32, #tpu.memory_space<hbm>>, %arg5: memref<5248x128xf32, #tpu.memory_space<hbm>>, %arg6: memref<10240x128xf32, #tpu.memory_space<hbm>>, %arg7: memref<160x128xi32, #tpu.memory_space<vmem>>, %arg8: memref<160x128xi32, #tpu.memory_space<vmem>>, %arg9: memref<2x128x128xf32, #tpu.memory_space<vmem>>, %arg10: memref<5248x128xf32, #tpu.memory_space<vmem_shared>>, %arg11: memref<!tpu.dma_semaphore, #tpu.memory_space<semaphore_mem>>) attributes {dimension_semantics = [#tpu.dimension_semantics<core_parallel>, #tpu.dimension_semantics<subcore_parallel>], iteration_bounds = array<i64: 2, 16>, scalar_prefetch = 0 : i64, scratch_operands = 5 : i64, tpu.core_type = #tpu.core_type<sc_vector_subcore>, window_params = [{transform_indices = #map}, {transform_indices = #map}, {transform_indices = #map}, {transform_indices = #map}, {transform_indices = #map}]} {
    %mul3A = arith.constant 5120 : i32
    %mul3A_0 = arith.muli %arg0, %mul3A : i32
    %mul3A_1 = arith.constant 328 : i32
    %mul3A_2 = arith.muli %arg1, %mul3A_1 : i32
    %mul3A_3 = arith.constant 328 : i32
    %mul3A_4 = arith.muli %arg1, %mul3A_3 : i32
    "tpu.region"() ({
      %run_scoped3A = tpu.sem_alloc : memref<!tpu.dma_semaphore, #tpu.memory_space<semaphore_mem>>
      %dma_start3A_45 = arith.constant 0 : i32
      %dma_start3A_46 = tpu.memref_slice %arg10[%mul3A_4, %dma_start3A_45] : memref<5248x128xf32, #tpu.memory_space<vmem_shared>> -> memref<328x128xf32, #tpu.memory_space<vmem_shared>>
      %dma_start3A_47 = arith.constant 0 : i32
      %dma_start3A_48 = tpu.memref_slice %arg5[%mul3A_2, %dma_start3A_47] : memref<5248x128xf32, #tpu.memory_space<hbm>> -> memref<328x128xf32, #tpu.memory_space<hbm>>
      tpu.enqueue_dma source(%dma_start3A_48 : memref<328x128xf32, #tpu.memory_space<hbm>>) target(%dma_start3A_46 : memref<328x128xf32, #tpu.memory_space<vmem_shared>>) target_semaphore(%run_scoped3A : memref<!tpu.dma_semaphore, #tpu.memory_space<semaphore_mem>>)
      %dma_wait3A_49 = arith.constant 0 : i32
      %dma_wait3A_50 = tpu.memref_slice %arg10[%mul3A_4, %dma_wait3A_49] : memref<5248x128xf32, #tpu.memory_space<vmem_shared>> -> memref<328x128xf32, #tpu.memory_space<vmem_shared>>
      %dma_wait3A_51 = arith.constant 0 : i32
      %dma_wait3A_52 = tpu.memref_slice %arg5[%mul3A_2, %dma_wait3A_51] : memref<5248x128xf32, #tpu.memory_space<hbm>> -> memref<328x128xf32, #tpu.memory_space<hbm>>
      tpu.wait_dma2 semaphore(%run_scoped3A : memref<!tpu.dma_semaphore, #tpu.memory_space<semaphore_mem>>) src(%dma_wait3A_52 : memref<328x128xf32, #tpu.memory_space<hbm>>) dst(%dma_wait3A_50 : memref<328x128xf32, #tpu.memory_space<vmem_shared>>)
      tpu.yield
    }) : () -> ()
    %mul3A_5 = arith.constant 160 : i32
    %mul3A_6 = arith.muli %arg1, %mul3A_5 : i32
    "tpu.region"() ({
      %run_scoped3A = tpu.sem_alloc : memref<!tpu.dma_semaphore, #tpu.memory_space<semaphore_mem>>
      %dma_start3A_45 = arith.constant 0 : i32
      %dma_start3A_46 = tpu.memref_slice %arg3[%mul3A_6, %dma_start3A_45] : memref<2560x128xi32, #tpu.memory_space<hbm>> -> memref<160x128xi32, #tpu.memory_space<hbm>>
      %dma_start3A_47 = arith.constant 0 : i32
      %dma_start3A_48 = tpu.memref_slice %arg3[%mul3A_6, %dma_start3A_47] : memref<2560x128xi32, #tpu.memory_space<hbm>> -> memref<160x128xi32, #tpu.memory_space<hbm>>
      tpu.enqueue_dma source(%dma_start3A_48 : memref<160x128xi32, #tpu.memory_space<hbm>>) target(%arg7 : memref<160x128xi32, #tpu.memory_space<vmem>>) target_semaphore(%run_scoped3A : memref<!tpu.dma_semaphore, #tpu.memory_space<semaphore_mem>>)
      %dma_wait3A_49 = arith.constant 0 : i32
      %dma_wait3A_50 = tpu.memref_slice %arg3[%mul3A_6, %dma_wait3A_49] : memref<2560x128xi32, #tpu.memory_space<hbm>> -> memref<160x128xi32, #tpu.memory_space<hbm>>
      %dma_wait3A_51 = arith.constant 0 : i32
      %dma_wait3A_52 = tpu.memref_slice %arg3[%mul3A_6, %dma_wait3A_51] : memref<2560x128xi32, #tpu.memory_space<hbm>> -> memref<160x128xi32, #tpu.memory_space<hbm>>
      tpu.wait_dma2 semaphore(%run_scoped3A : memref<!tpu.dma_semaphore, #tpu.memory_space<semaphore_mem>>) src(%dma_wait3A_52 : memref<160x128xi32, #tpu.memory_space<hbm>>) dst(%arg7 : memref<160x128xi32, #tpu.memory_space<vmem>>)
      tpu.yield
    }) : () -> ()
    %mul3A_7 = arith.constant 16 : i32
    %mul3A_8 = arith.muli %arg0, %mul3A_7 : i32
    %add3A = arith.addi %mul3A_8, %arg1 : i32
    %mul3A_9 = arith.constant 160 : i32
    %mul3A_10 = arith.muli %add3A, %mul3A_9 : i32
    "tpu.region"() ({
      %run_scoped3A = tpu.sem_alloc : memref<!tpu.dma_semaphore, #tpu.memory_space<semaphore_mem>>
      %dma_start3A_45 = arith.constant 0 : i32
      %dma_start3A_46 = tpu.memref_slice %arg4[%mul3A_10, %dma_start3A_45] : memref<5120x128xi32, #tpu.memory_space<hbm>> -> memref<160x128xi32, #tpu.memory_space<hbm>>
      %dma_start3A_47 = arith.constant 0 : i32
      %dma_start3A_48 = tpu.memref_slice %arg4[%mul3A_10, %dma_start3A_47] : memref<5120x128xi32, #tpu.memory_space<hbm>> -> memref<160x128xi32, #tpu.memory_space<hbm>>
      tpu.enqueue_dma source(%dma_start3A_48 : memref<160x128xi32, #tpu.memory_space<hbm>>) target(%arg8 : memref<160x128xi32, #tpu.memory_space<vmem>>) target_semaphore(%run_scoped3A : memref<!tpu.dma_semaphore, #tpu.memory_space<semaphore_mem>>)
      %dma_wait3A_49 = arith.constant 0 : i32
      %dma_wait3A_50 = tpu.memref_slice %arg4[%mul3A_10, %dma_wait3A_49] : memref<5120x128xi32, #tpu.memory_space<hbm>> -> memref<160x128xi32, #tpu.memory_space<hbm>>
      %dma_wait3A_51 = arith.constant 0 : i32
      %dma_wait3A_52 = tpu.memref_slice %arg4[%mul3A_10, %dma_wait3A_51] : memref<5120x128xi32, #tpu.memory_space<hbm>> -> memref<160x128xi32, #tpu.memory_space<hbm>>
      tpu.wait_dma2 semaphore(%run_scoped3A : memref<!tpu.dma_semaphore, #tpu.memory_space<semaphore_mem>>) src(%dma_wait3A_52 : memref<160x128xi32, #tpu.memory_space<hbm>>) dst(%arg8 : memref<160x128xi32, #tpu.memory_space<vmem>>)
      tpu.yield
    }) : () -> ()
    %barrier3A = arith.constant 0 : index
    tpu.barrier barrier_id(%barrier3A)
    %dma_start3A = arith.constant 0 : i32
    %dma_start3A_11 = arith.constant 0 : i32
    %dma_start3A_12 = arith.constant 0 : i32
    %dma_start3A_13 = arith.constant 0 : i32
    %dma_start3A_14 = tpu.memref_slice %arg9[%dma_start3A_11, %dma_start3A_12, %dma_start3A_13] : memref<2x128x128xf32, #tpu.memory_space<vmem>> -> memref<1x128x128xf32, #tpu.memory_space<vmem>>
    %dma_start3A_15 = tpu.memref_squeeze %dma_start3A_14 : memref<1x128x128xf32, #tpu.memory_space<vmem>> -> memref<128x128xf32, #tpu.memory_space<vmem>>
    %dma_start3A_16 = arith.constant 0 : i32
    %dma_start3A_17 = tpu.memref_slice %arg7[%dma_start3A, %dma_start3A_16] : memref<160x128xi32, #tpu.memory_space<vmem>> -> memref<1x128xi32, #tpu.memory_space<vmem>>
    %dma_start3A_18 = tpu.memref_squeeze %dma_start3A_17 : memref<1x128xi32, #tpu.memory_space<vmem>> -> memref<128xi32, #tpu.memory_space<vmem>>
    %dma_start3A_19 = arith.constant 0 : i32
    %dma_start3A_20 = arith.constant 0 : i32
    %dma_start3A_21 = tpu.memref_slice %arg2[%dma_start3A_19, %dma_start3A_20] : memref<10240x128xf32, #tpu.memory_space<hbm>> -> memref<10240x128xf32, #tpu.memory_space<hbm>>
    tpu.enqueue_indirect_dma source(%dma_start3A_21 : memref<10240x128xf32, #tpu.memory_space<hbm>>) target(%dma_start3A_15 : memref<128x128xf32, #tpu.memory_space<vmem>>) offsets(%dma_start3A_18 : memref<128xi32, #tpu.memory_space<vmem>>) semaphore(%arg11 : memref<!tpu.dma_semaphore, #tpu.memory_space<semaphore_mem>>)
    %scan3A = arith.constant 0 : i32
    %scan3A_22 = arith.constant 0 : i32
    %scan3A_23 = arith.constant 160 : i32
    %scan3A_24 = arith.addi %scan3A_22, %scan3A_23 : i32
    %scan3A_25 = arith.constant 1 : i32
    %scan3A_26 = scf.for %scan3A_45 = %scan3A_22 to %scan3A_24 step %scan3A_25 iter_args(%scan3A_46 = %scan3A) -> (i32)  : i32 {
      %add3A_47 = arith.constant 1 : i32
      %add3A_48 = arith.addi %scan3A_45, %add3A_47 : i32
      %min3A = arith.constant 159 : i32
      %min3A_49 = arith.minsi %add3A_48, %min3A : i32
      %add3A_50 = arith.constant 1 : i32
      %add3A_51 = arith.addi %scan3A_45, %add3A_50 : i32
      %jit3A = arith.constant 2 : i32
      %eq3A = arith.constant 0 : i32
      %eq3A_52 = arith.cmpi eq, %jit3A, %eq3A : i32
      %jit3A_53 = arith.constant 1 : i32
      %select_n3A = arith.select %eq3A_52, %jit3A_53, %jit3A : i32
      %rem3A = arith.remsi %add3A_51, %select_n3A : i32
      %ne3A = arith.constant 0 : i32
      %ne3A_54 = arith.cmpi ne, %rem3A, %ne3A : i32
      %lt3A = arith.constant 0 : i32
      %lt3A_55 = arith.cmpi slt, %rem3A, %lt3A : i32
      %lt3A_56 = arith.constant 0 : i32
      %lt3A_57 = arith.cmpi slt, %select_n3A, %lt3A_56 : i32
      %ne3A_58 = arith.xori %lt3A_55, %lt3A_57 : i1
      %and3A = arith.andi %ne3A_58, %ne3A_54 : i1
      %add3A_59 = arith.addi %rem3A, %select_n3A : i32
      %select_n3A_60 = arith.select %and3A, %add3A_59, %rem3A : i32
      %dma_start3A_61 = arith.constant 0 : i32
      %dma_start3A_62 = arith.constant 0 : i32
      %dma_start3A_63 = tpu.memref_slice %arg9[%select_n3A_60, %dma_start3A_61, %dma_start3A_62] : memref<2x128x128xf32, #tpu.memory_space<vmem>> -> memref<1x128x128xf32, #tpu.memory_space<vmem>>
      %dma_start3A_64 = tpu.memref_squeeze %dma_start3A_63 : memref<1x128x128xf32, #tpu.memory_space<vmem>> -> memref<128x128xf32, #tpu.memory_space<vmem>>
      %dma_start3A_65 = arith.constant 0 : i32
      %dma_start3A_66 = tpu.memref_slice %arg7[%min3A_49, %dma_start3A_65] : memref<160x128xi32, #tpu.memory_space<vmem>> -> memref<1x128xi32, #tpu.memory_space<vmem>>
      %dma_start3A_67 = tpu.memref_squeeze %dma_start3A_66 : memref<1x128xi32, #tpu.memory_space<vmem>> -> memref<128xi32, #tpu.memory_space<vmem>>
      %dma_start3A_68 = arith.constant 0 : i32
      %dma_start3A_69 = arith.constant 0 : i32
      %dma_start3A_70 = tpu.memref_slice %arg2[%dma_start3A_68, %dma_start3A_69] : memref<10240x128xf32, #tpu.memory_space<hbm>> -> memref<10240x128xf32, #tpu.memory_space<hbm>>
      tpu.enqueue_indirect_dma source(%dma_start3A_70 : memref<10240x128xf32, #tpu.memory_space<hbm>>) target(%dma_start3A_64 : memref<128x128xf32, #tpu.memory_space<vmem>>) offsets(%dma_start3A_67 : memref<128xi32, #tpu.memory_space<vmem>>) semaphore(%arg11 : memref<!tpu.dma_semaphore, #tpu.memory_space<semaphore_mem>>)
      %jit3A_71 = arith.constant 2 : i32
      %eq3A_72 = arith.constant 0 : i32
      %eq3A_73 = arith.cmpi eq, %jit3A_71, %eq3A_72 : i32
      %jit3A_74 = arith.constant 1 : i32
      %select_n3A_75 = arith.select %eq3A_73, %jit3A_74, %jit3A_71 : i32
      %rem3A_76 = arith.remsi %scan3A_45, %select_n3A_75 : i32
      %ne3A_77 = arith.constant 0 : i32
      %ne3A_78 = arith.cmpi ne, %rem3A_76, %ne3A_77 : i32
      %lt3A_79 = arith.constant 0 : i32
      %lt3A_80 = arith.cmpi slt, %rem3A_76, %lt3A_79 : i32
      %lt3A_81 = arith.constant 0 : i32
      %lt3A_82 = arith.cmpi slt, %select_n3A_75, %lt3A_81 : i32
      %ne3A_83 = arith.xori %lt3A_80, %lt3A_82 : i1
      %and3A_84 = arith.andi %ne3A_83, %ne3A_78 : i1
      %add3A_85 = arith.addi %rem3A_76, %select_n3A_75 : i32
      %select_n3A_86 = arith.select %and3A_84, %add3A_85, %rem3A_76 : i32
      %dma_wait3A_87 = arith.constant 0 : i32
      %dma_wait3A_88 = arith.constant 0 : i32
      %dma_wait3A_89 = tpu.memref_slice %arg9[%select_n3A_86, %dma_wait3A_87, %dma_wait3A_88] : memref<2x128x128xf32, #tpu.memory_space<vmem>> -> memref<1x128x128xf32, #tpu.memory_space<vmem>>
      %dma_wait3A_90 = tpu.memref_squeeze %dma_wait3A_89 : memref<1x128x128xf32, #tpu.memory_space<vmem>> -> memref<128x128xf32, #tpu.memory_space<vmem>>
      %dma_wait3A_91 = arith.constant 0 : i32
      %dma_wait3A_92 = tpu.memref_slice %arg7[%scan3A_45, %dma_wait3A_91] : memref<160x128xi32, #tpu.memory_space<vmem>> -> memref<1x128xi32, #tpu.memory_space<vmem>>
      %dma_wait3A_93 = tpu.memref_squeeze %dma_wait3A_92 : memref<1x128xi32, #tpu.memory_space<vmem>> -> memref<128xi32, #tpu.memory_space<vmem>>
      %dma_wait3A_94 = arith.constant 0 : i32
      %dma_wait3A_95 = arith.constant 0 : i32
      %dma_wait3A_96 = tpu.memref_slice %arg2[%dma_wait3A_94, %dma_wait3A_95] : memref<10240x128xf32, #tpu.memory_space<hbm>> -> memref<10240x128xf32, #tpu.memory_space<hbm>>
      tpu.wait_indirect_dma semaphore(%arg11 : memref<!tpu.dma_semaphore, #tpu.memory_space<semaphore_mem>>) src(%dma_wait3A_96 : memref<10240x128xf32, #tpu.memory_space<hbm>>) dst(%dma_wait3A_90 : memref<128x128xf32, #tpu.memory_space<vmem>>)
      %jit3A_97 = arith.constant 2 : i32
      %eq3A_98 = arith.constant 0 : i32
      %eq3A_99 = arith.cmpi eq, %jit3A_97, %eq3A_98 : i32
      %jit3A_100 = arith.constant 1 : i32
      %select_n3A_101 = arith.select %eq3A_99, %jit3A_100, %jit3A_97 : i32
      %rem3A_102 = arith.remsi %scan3A_45, %select_n3A_101 : i32
      %ne3A_103 = arith.constant 0 : i32
      %ne3A_104 = arith.cmpi ne, %rem3A_102, %ne3A_103 : i32
      %lt3A_105 = arith.constant 0 : i32
      %lt3A_106 = arith.cmpi slt, %rem3A_102, %lt3A_105 : i32
      %lt3A_107 = arith.constant 0 : i32
      %lt3A_108 = arith.cmpi slt, %select_n3A_101, %lt3A_107 : i32
      %ne3A_109 = arith.xori %lt3A_106, %lt3A_108 : i1
      %and3A_110 = arith.andi %ne3A_109, %ne3A_104 : i1
      %add3A_111 = arith.addi %rem3A_102, %select_n3A_101 : i32
      %select_n3A_112 = arith.select %and3A_110, %add3A_111, %rem3A_102 : i32
      "tpu.region"() ({
        %run_scoped3A = tpu.sem_alloc : memref<!tpu.dma_semaphore, #tpu.memory_space<semaphore_mem>>
        %dma_start3A_114 = arith.constant 0 : i32
        %dma_start3A_115 = arith.constant 0 : i32
        %dma_start3A_116 = tpu.memref_slice %arg9[%select_n3A_112, %dma_start3A_114, %dma_start3A_115] : memref<2x128x128xf32, #tpu.memory_space<vmem>> -> memref<1x128x128xf32, #tpu.memory_space<vmem>>
        %dma_start3A_117 = tpu.memref_squeeze %dma_start3A_116 : memref<1x128x128xf32, #tpu.memory_space<vmem>> -> memref<128x128xf32, #tpu.memory_space<vmem>>
        %dma_start3A_118 = arith.constant 0 : i32
        %dma_start3A_119 = tpu.memref_slice %arg8[%scan3A_45, %dma_start3A_118] : memref<160x128xi32, #tpu.memory_space<vmem>> -> memref<1x128xi32, #tpu.memory_space<vmem>>
        %dma_start3A_120 = tpu.memref_squeeze %dma_start3A_119 : memref<1x128xi32, #tpu.memory_space<vmem>> -> memref<128xi32, #tpu.memory_space<vmem>>
        %dma_start3A_121 = arith.constant 0 : i32
        %dma_start3A_122 = arith.constant 0 : i32
        %dma_start3A_123 = tpu.memref_slice %arg10[%dma_start3A_121, %dma_start3A_122] : memref<5248x128xf32, #tpu.memory_space<vmem_shared>> -> memref<5248x128xf32, #tpu.memory_space<vmem_shared>>
        tpu.enqueue_indirect_dma source(%dma_start3A_117 : memref<128x128xf32, #tpu.memory_space<vmem>>) target(%dma_start3A_123 : memref<5248x128xf32, #tpu.memory_space<vmem_shared>>) offsets(%dma_start3A_120 : memref<128xi32, #tpu.memory_space<vmem>>) semaphore(%run_scoped3A : memref<!tpu.dma_semaphore, #tpu.memory_space<semaphore_mem>>) {add = true}
        %dma_wait3A_124 = arith.constant 0 : i32
        %dma_wait3A_125 = arith.constant 0 : i32
        %dma_wait3A_126 = tpu.memref_slice %arg9[%select_n3A_112, %dma_wait3A_124, %dma_wait3A_125] : memref<2x128x128xf32, #tpu.memory_space<vmem>> -> memref<1x128x128xf32, #tpu.memory_space<vmem>>
        %dma_wait3A_127 = tpu.memref_squeeze %dma_wait3A_126 : memref<1x128x128xf32, #tpu.memory_space<vmem>> -> memref<128x128xf32, #tpu.memory_space<vmem>>
        %dma_wait3A_128 = arith.constant 0 : i32
        %dma_wait3A_129 = tpu.memref_slice %arg8[%scan3A_45, %dma_wait3A_128] : memref<160x128xi32, #tpu.memory_space<vmem>> -> memref<1x128xi32, #tpu.memory_space<vmem>>
        %dma_wait3A_130 = tpu.memref_squeeze %dma_wait3A_129 : memref<1x128xi32, #tpu.memory_space<vmem>> -> memref<128xi32, #tpu.memory_space<vmem>>
        %dma_wait3A_131 = arith.constant 0 : i32
        %dma_wait3A_132 = arith.constant 0 : i32
        %dma_wait3A_133 = tpu.memref_slice %arg10[%dma_wait3A_131, %dma_wait3A_132] : memref<5248x128xf32, #tpu.memory_space<vmem_shared>> -> memref<5248x128xf32, #tpu.memory_space<vmem_shared>>
        tpu.wait_indirect_dma semaphore(%run_scoped3A : memref<!tpu.dma_semaphore, #tpu.memory_space<semaphore_mem>>) src(%dma_wait3A_127 : memref<128x128xf32, #tpu.memory_space<vmem>>) dst(%dma_wait3A_133 : memref<5248x128xf32, #tpu.memory_space<vmem_shared>>)
        tpu.yield
      }) : () -> ()
      %scan3A_113 = arith.constant 0 : i32
      scf.yield %scan3A_113 : i32
    }
    %scan3A_27 = arith.constant 160 : i32
    %dma_wait3A = arith.constant 159 : i32
    %dma_wait3A_28 = arith.constant 0 : i32
    %dma_wait3A_29 = arith.constant 0 : i32
    %dma_wait3A_30 = arith.constant 0 : i32
    %dma_wait3A_31 = tpu.memref_slice %arg9[%dma_wait3A_28, %dma_wait3A_29, %dma_wait3A_30] : memref<2x128x128xf32, #tpu.memory_space<vmem>> -> memref<1x128x128xf32, #tpu.memory_space<vmem>>
    %dma_wait3A_32 = tpu.memref_squeeze %dma_wait3A_31 : memref<1x128x128xf32, #tpu.memory_space<vmem>> -> memref<128x128xf32, #tpu.memory_space<vmem>>
    %dma_wait3A_33 = arith.constant 0 : i32
    %dma_wait3A_34 = tpu.memref_slice %arg7[%dma_wait3A, %dma_wait3A_33] : memref<160x128xi32, #tpu.memory_space<vmem>> -> memref<1x128xi32, #tpu.memory_space<vmem>>
    %dma_wait3A_35 = tpu.memref_squeeze %dma_wait3A_34 : memref<1x128xi32, #tpu.memory_space<vmem>> -> memref<128xi32, #tpu.memory_space<vmem>>
    %dma_wait3A_36 = arith.constant 0 : i32
    %dma_wait3A_37 = arith.constant 0 : i32
    %dma_wait3A_38 = tpu.memref_slice %arg2[%dma_wait3A_36, %dma_wait3A_37] : memref<10240x128xf32, #tpu.memory_space<hbm>> -> memref<10240x128xf32, #tpu.memory_space<hbm>>
    tpu.wait_indirect_dma semaphore(%arg11 : memref<!tpu.dma_semaphore, #tpu.memory_space<semaphore_mem>>) src(%dma_wait3A_38 : memref<10240x128xf32, #tpu.memory_space<hbm>>) dst(%dma_wait3A_32 : memref<128x128xf32, #tpu.memory_space<vmem>>)
    %barrier3A_39 = arith.constant 0 : index
    tpu.barrier barrier_id(%barrier3A_39)
    %mul3A_40 = arith.constant 320 : i32
    %mul3A_41 = arith.muli %arg1, %mul3A_40 : i32
    %mul3A_42 = arith.constant 320 : i32
    %mul3A_43 = arith.muli %arg1, %mul3A_42 : i32
    %add3A_44 = arith.addi %mul3A_0, %mul3A_43 : i32
    "tpu.region"() ({
      %run_scoped3A = tpu.sem_alloc : memref<!tpu.dma_semaphore, #tpu.memory_space<semaphore_mem>>
      %dma_start3A_45 = arith.constant 0 : i32
      %dma_start3A_46 = tpu.memref_slice %arg6[%add3A_44, %dma_start3A_45] : memref<10240x128xf32, #tpu.memory_space<hbm>> -> memref<320x128xf32, #tpu.memory_space<hbm>>
      %dma_start3A_47 = arith.constant 0 : i32
      %dma_start3A_48 = tpu.memref_slice %arg10[%mul3A_41, %dma_start3A_47] : memref<5248x128xf32, #tpu.memory_space<vmem_shared>> -> memref<320x128xf32, #tpu.memory_space<vmem_shared>>
      tpu.enqueue_dma source(%dma_start3A_48 : memref<320x128xf32, #tpu.memory_space<vmem_shared>>) target(%dma_start3A_46 : memref<320x128xf32, #tpu.memory_space<hbm>>) target_semaphore(%run_scoped3A : memref<!tpu.dma_semaphore, #tpu.memory_space<semaphore_mem>>)
      %dma_wait3A_49 = arith.constant 0 : i32
      %dma_wait3A_50 = tpu.memref_slice %arg6[%add3A_44, %dma_wait3A_49] : memref<10240x128xf32, #tpu.memory_space<hbm>> -> memref<320x128xf32, #tpu.memory_space<hbm>>
      %dma_wait3A_51 = arith.constant 0 : i32
      %dma_wait3A_52 = tpu.memref_slice %arg10[%mul3A_41, %dma_wait3A_51] : memref<5248x128xf32, #tpu.memory_space<vmem_shared>> -> memref<320x128xf32, #tpu.memory_space<vmem_shared>>
      tpu.wait_dma2 semaphore(%run_scoped3A : memref<!tpu.dma_semaphore, #tpu.memory_space<semaphore_mem>>) src(%dma_wait3A_52 : memref<320x128xf32, #tpu.memory_space<vmem_shared>>) dst(%dma_wait3A_50 : memref<320x128xf32, #tpu.memory_space<hbm>>)
      tpu.yield
    }) : () -> ()
    return
  }
}

#map = affine_map<(d0, d1) -> (0, 0)>
module attributes {stable_mosaic.version = 14 : i64} {
  func.func @agg_fn(%arg0: i32, %arg1: i32, %arg2: memref<10240x128xf32, #tpu.memory_space<hbm>>, %arg3: memref<2560x128xi32, #tpu.memory_space<hbm>>, %arg4: memref<5120x128xi32, #tpu.memory_space<hbm>>, %arg5: memref<5248x128xf32, #tpu.memory_space<hbm>>, %arg6: memref<10240x128xf32, #tpu.memory_space<hbm>>, %arg7: memref<160x128xi32, #tpu.memory_space<vmem>>, %arg8: memref<160x128xi32, #tpu.memory_space<vmem>>, %arg9: memref<2x128x128xf32, #tpu.memory_space<vmem>>, %arg10: memref<5248x128xf32, #tpu.memory_space<vmem_shared>>, %arg11: memref<!tpu.dma_semaphore, #tpu.memory_space<semaphore_mem>>) attributes {dimension_semantics = [#tpu.dimension_semantics<core_parallel>, #tpu.dimension_semantics<subcore_parallel>], iteration_bounds = array<i64: 2, 16>, scalar_prefetch = 0 : i64, scratch_operands = 5 : i64, tpu.core_type = #tpu.core_type<sc_vector_subcore>, window_params = [{transform_indices = #map}, {transform_indices = #map}, {transform_indices = #map}, {transform_indices = #map}, {transform_indices = #map}]} {
    %mul3A = arith.constant 5120 : i32
    %mul3A_0 = arith.muli %arg0, %mul3A : i32
    %mul3A_1 = arith.constant 328 : i32
    %mul3A_2 = arith.muli %arg1, %mul3A_1 : i32
    %mul3A_3 = arith.constant 328 : i32
    %mul3A_4 = arith.muli %arg1, %mul3A_3 : i32
    "tpu.region"() ({
      %run_scoped3A = tpu.sem_alloc : memref<!tpu.dma_semaphore, #tpu.memory_space<semaphore_mem>>
      %dma_start3A_45 = arith.constant 0 : i32
      %dma_start3A_46 = tpu.memref_slice %arg10[%mul3A_4, %dma_start3A_45] : memref<5248x128xf32, #tpu.memory_space<vmem_shared>> -> memref<328x128xf32, #tpu.memory_space<vmem_shared>>
      %dma_start3A_47 = arith.constant 0 : i32
      %dma_start3A_48 = tpu.memref_slice %arg5[%mul3A_2, %dma_start3A_47] : memref<5248x128xf32, #tpu.memory_space<hbm>> -> memref<328x128xf32, #tpu.memory_space<hbm>>
      tpu.enqueue_dma source(%dma_start3A_48 : memref<328x128xf32, #tpu.memory_space<hbm>>) target(%dma_start3A_46 : memref<328x128xf32, #tpu.memory_space<vmem_shared>>) target_semaphore(%run_scoped3A : memref<!tpu.dma_semaphore, #tpu.memory_space<semaphore_mem>>)
      %dma_wait3A_49 = arith.constant 0 : i32
      %dma_wait3A_50 = tpu.memref_slice %arg10[%mul3A_4, %dma_wait3A_49] : memref<5248x128xf32, #tpu.memory_space<vmem_shared>> -> memref<328x128xf32, #tpu.memory_space<vmem_shared>>
      %dma_wait3A_51 = arith.constant 0 : i32
      %dma_wait3A_52 = tpu.memref_slice %arg5[%mul3A_2, %dma_wait3A_51] : memref<5248x128xf32, #tpu.memory_space<hbm>> -> memref<328x128xf32, #tpu.memory_space<hbm>>
      tpu.wait_dma2 semaphore(%run_scoped3A : memref<!tpu.dma_semaphore, #tpu.memory_space<semaphore_mem>>) src(%dma_wait3A_52 : memref<328x128xf32, #tpu.memory_space<hbm>>) dst(%dma_wait3A_50 : memref<328x128xf32, #tpu.memory_space<vmem_shared>>)
      tpu.yield
    }) : () -> ()
    %mul3A_5 = arith.constant 160 : i32
    %mul3A_6 = arith.muli %arg1, %mul3A_5 : i32
    "tpu.region"() ({
      %run_scoped3A = tpu.sem_alloc : memref<!tpu.dma_semaphore, #tpu.memory_space<semaphore_mem>>
      %dma_start3A_45 = arith.constant 0 : i32
      %dma_start3A_46 = tpu.memref_slice %arg3[%mul3A_6, %dma_start3A_45] : memref<2560x128xi32, #tpu.memory_space<hbm>> -> memref<160x128xi32, #tpu.memory_space<hbm>>
      %dma_start3A_47 = arith.constant 0 : i32
      %dma_start3A_48 = tpu.memref_slice %arg3[%mul3A_6, %dma_start3A_47] : memref<2560x128xi32, #tpu.memory_space<hbm>> -> memref<160x128xi32, #tpu.memory_space<hbm>>
      tpu.enqueue_dma source(%dma_start3A_48 : memref<160x128xi32, #tpu.memory_space<hbm>>) target(%arg7 : memref<160x128xi32, #tpu.memory_space<vmem>>) target_semaphore(%run_scoped3A : memref<!tpu.dma_semaphore, #tpu.memory_space<semaphore_mem>>)
      %dma_wait3A_49 = arith.constant 0 : i32
      %dma_wait3A_50 = tpu.memref_slice %arg3[%mul3A_6, %dma_wait3A_49] : memref<2560x128xi32, #tpu.memory_space<hbm>> -> memref<160x128xi32, #tpu.memory_space<hbm>>
      %dma_wait3A_51 = arith.constant 0 : i32
      %dma_wait3A_52 = tpu.memref_slice %arg3[%mul3A_6, %dma_wait3A_51] : memref<2560x128xi32, #tpu.memory_space<hbm>> -> memref<160x128xi32, #tpu.memory_space<hbm>>
      tpu.wait_dma2 semaphore(%run_scoped3A : memref<!tpu.dma_semaphore, #tpu.memory_space<semaphore_mem>>) src(%dma_wait3A_52 : memref<160x128xi32, #tpu.memory_space<hbm>>) dst(%arg7 : memref<160x128xi32, #tpu.memory_space<vmem>>)
      tpu.yield
    }) : () -> ()
    %mul3A_7 = arith.constant 16 : i32
    %mul3A_8 = arith.muli %arg0, %mul3A_7 : i32
    %add3A = arith.addi %mul3A_8, %arg1 : i32
    %mul3A_9 = arith.constant 160 : i32
    %mul3A_10 = arith.muli %add3A, %mul3A_9 : i32
    "tpu.region"() ({
      %run_scoped3A = tpu.sem_alloc : memref<!tpu.dma_semaphore, #tpu.memory_space<semaphore_mem>>
      %dma_start3A_45 = arith.constant 0 : i32
      %dma_start3A_46 = tpu.memref_slice %arg4[%mul3A_10, %dma_start3A_45] : memref<5120x128xi32, #tpu.memory_space<hbm>> -> memref<160x128xi32, #tpu.memory_space<hbm>>
      %dma_start3A_47 = arith.constant 0 : i32
      %dma_start3A_48 = tpu.memref_slice %arg4[%mul3A_10, %dma_start3A_47] : memref<5120x128xi32, #tpu.memory_space<hbm>> -> memref<160x128xi32, #tpu.memory_space<hbm>>
      tpu.enqueue_dma source(%dma_start3A_48 : memref<160x128xi32, #tpu.memory_space<hbm>>) target(%arg8 : memref<160x128xi32, #tpu.memory_space<vmem>>) target_semaphore(%run_scoped3A : memref<!tpu.dma_semaphore, #tpu.memory_space<semaphore_mem>>)
      %dma_wait3A_49 = arith.constant 0 : i32
      %dma_wait3A_50 = tpu.memref_slice %arg4[%mul3A_10, %dma_wait3A_49] : memref<5120x128xi32, #tpu.memory_space<hbm>> -> memref<160x128xi32, #tpu.memory_space<hbm>>
      %dma_wait3A_51 = arith.constant 0 : i32
      %dma_wait3A_52 = tpu.memref_slice %arg4[%mul3A_10, %dma_wait3A_51] : memref<5120x128xi32, #tpu.memory_space<hbm>> -> memref<160x128xi32, #tpu.memory_space<hbm>>
      tpu.wait_dma2 semaphore(%run_scoped3A : memref<!tpu.dma_semaphore, #tpu.memory_space<semaphore_mem>>) src(%dma_wait3A_52 : memref<160x128xi32, #tpu.memory_space<hbm>>) dst(%arg8 : memref<160x128xi32, #tpu.memory_space<vmem>>)
      tpu.yield
    }) : () -> ()
    %barrier3A = arith.constant 0 : index
    tpu.barrier barrier_id(%barrier3A)
    %dma_start3A = arith.constant 0 : i32
    %dma_start3A_11 = arith.constant 0 : i32
    %dma_start3A_12 = arith.constant 0 : i32
    %dma_start3A_13 = arith.constant 0 : i32
    %dma_start3A_14 = tpu.memref_slice %arg9[%dma_start3A_11, %dma_start3A_12, %dma_start3A_13] : memref<2x128x128xf32, #tpu.memory_space<vmem>> -> memref<1x128x128xf32, #tpu.memory_space<vmem>>
    %dma_start3A_15 = tpu.memref_squeeze %dma_start3A_14 : memref<1x128x128xf32, #tpu.memory_space<vmem>> -> memref<128x128xf32, #tpu.memory_space<vmem>>
    %dma_start3A_16 = arith.constant 0 : i32
    %dma_start3A_17 = tpu.memref_slice %arg7[%dma_start3A, %dma_start3A_16] : memref<160x128xi32, #tpu.memory_space<vmem>> -> memref<1x128xi32, #tpu.memory_space<vmem>>
    %dma_start3A_18 = tpu.memref_squeeze %dma_start3A_17 : memref<1x128xi32, #tpu.memory_space<vmem>> -> memref<128xi32, #tpu.memory_space<vmem>>
    %dma_start3A_19 = arith.constant 0 : i32
    %dma_start3A_20 = arith.constant 0 : i32
    %dma_start3A_21 = tpu.memref_slice %arg2[%dma_start3A_19, %dma_start3A_20] : memref<10240x128xf32, #tpu.memory_space<hbm>> -> memref<10240x128xf32, #tpu.memory_space<hbm>>
    tpu.enqueue_indirect_dma source(%dma_start3A_21 : memref<10240x128xf32, #tpu.memory_space<hbm>>) target(%dma_start3A_15 : memref<128x128xf32, #tpu.memory_space<vmem>>) offsets(%dma_start3A_18 : memref<128xi32, #tpu.memory_space<vmem>>) semaphore(%arg11 : memref<!tpu.dma_semaphore, #tpu.memory_space<semaphore_mem>>)
    %scan3A = arith.constant 0 : i32
    %scan3A_22 = arith.constant 0 : i32
    %scan3A_23 = arith.constant 160 : i32
    %scan3A_24 = arith.addi %scan3A_22, %scan3A_23 : i32
    %scan3A_25 = arith.constant 1 : i32
    %scan3A_26 = scf.for %scan3A_45 = %scan3A_22 to %scan3A_24 step %scan3A_25 iter_args(%scan3A_46 = %scan3A) -> (i32)  : i32 {
      %add3A_47 = arith.constant 1 : i32
      %add3A_48 = arith.addi %scan3A_45, %add3A_47 : i32
      %min3A = arith.constant 159 : i32
      %min3A_49 = arith.minsi %add3A_48, %min3A : i32
      %add3A_50 = arith.constant 1 : i32
      %add3A_51 = arith.addi %scan3A_45, %add3A_50 : i32
      %jit3A = arith.constant 2 : i32
      %eq3A = arith.constant 0 : i32
      %eq3A_52 = arith.cmpi eq, %jit3A, %eq3A : i32
      %jit3A_53 = arith.constant 1 : i32
      %select_n3A = arith.select %eq3A_52, %jit3A_53, %jit3A : i32
      %rem3A = arith.remsi %add3A_51, %select_n3A : i32
      %ne3A = arith.constant 0 : i32
      %ne3A_54 = arith.cmpi ne, %rem3A, %ne3A : i32
      %lt3A = arith.constant 0 : i32
      %lt3A_55 = arith.cmpi slt, %rem3A, %lt3A : i32
      %lt3A_56 = arith.constant 0 : i32
      %lt3A_57 = arith.cmpi slt, %select_n3A, %lt3A_56 : i32
      %ne3A_58 = arith.xori %lt3A_55, %lt3A_57 : i1
      %and3A = arith.andi %ne3A_58, %ne3A_54 : i1
      %add3A_59 = arith.addi %rem3A, %select_n3A : i32
      %select_n3A_60 = arith.select %and3A, %add3A_59, %rem3A : i32
      %dma_start3A_61 = arith.constant 0 : i32
      %dma_start3A_62 = arith.constant 0 : i32
      %dma_start3A_63 = tpu.memref_slice %arg9[%select_n3A_60, %dma_start3A_61, %dma_start3A_62] : memref<2x128x128xf32, #tpu.memory_space<vmem>> -> memref<1x128x128xf32, #tpu.memory_space<vmem>>
      %dma_start3A_64 = tpu.memref_squeeze %dma_start3A_63 : memref<1x128x128xf32, #tpu.memory_space<vmem>> -> memref<128x128xf32, #tpu.memory_space<vmem>>
      %dma_start3A_65 = arith.constant 0 : i32
      %dma_start3A_66 = tpu.memref_slice %arg7[%min3A_49, %dma_start3A_65] : memref<160x128xi32, #tpu.memory_space<vmem>> -> memref<1x128xi32, #tpu.memory_space<vmem>>
      %dma_start3A_67 = tpu.memref_squeeze %dma_start3A_66 : memref<1x128xi32, #tpu.memory_space<vmem>> -> memref<128xi32, #tpu.memory_space<vmem>>
      %dma_start3A_68 = arith.constant 0 : i32
      %dma_start3A_69 = arith.constant 0 : i32
      %dma_start3A_70 = tpu.memref_slice %arg2[%dma_start3A_68, %dma_start3A_69] : memref<10240x128xf32, #tpu.memory_space<hbm>> -> memref<10240x128xf32, #tpu.memory_space<hbm>>
      tpu.enqueue_indirect_dma source(%dma_start3A_70 : memref<10240x128xf32, #tpu.memory_space<hbm>>) target(%dma_start3A_64 : memref<128x128xf32, #tpu.memory_space<vmem>>) offsets(%dma_start3A_67 : memref<128xi32, #tpu.memory_space<vmem>>) semaphore(%arg11 : memref<!tpu.dma_semaphore, #tpu.memory_space<semaphore_mem>>)
      %jit3A_71 = arith.constant 2 : i32
      %eq3A_72 = arith.constant 0 : i32
      %eq3A_73 = arith.cmpi eq, %jit3A_71, %eq3A_72 : i32
      %jit3A_74 = arith.constant 1 : i32
      %select_n3A_75 = arith.select %eq3A_73, %jit3A_74, %jit3A_71 : i32
      %rem3A_76 = arith.remsi %scan3A_45, %select_n3A_75 : i32
      %ne3A_77 = arith.constant 0 : i32
      %ne3A_78 = arith.cmpi ne, %rem3A_76, %ne3A_77 : i32
      %lt3A_79 = arith.constant 0 : i32
      %lt3A_80 = arith.cmpi slt, %rem3A_76, %lt3A_79 : i32
      %lt3A_81 = arith.constant 0 : i32
      %lt3A_82 = arith.cmpi slt, %select_n3A_75, %lt3A_81 : i32
      %ne3A_83 = arith.xori %lt3A_80, %lt3A_82 : i1
      %and3A_84 = arith.andi %ne3A_83, %ne3A_78 : i1
      %add3A_85 = arith.addi %rem3A_76, %select_n3A_75 : i32
      %select_n3A_86 = arith.select %and3A_84, %add3A_85, %rem3A_76 : i32
      %dma_wait3A_87 = arith.constant 0 : i32
      %dma_wait3A_88 = arith.constant 0 : i32
      %dma_wait3A_89 = tpu.memref_slice %arg9[%select_n3A_86, %dma_wait3A_87, %dma_wait3A_88] : memref<2x128x128xf32, #tpu.memory_space<vmem>> -> memref<1x128x128xf32, #tpu.memory_space<vmem>>
      %dma_wait3A_90 = tpu.memref_squeeze %dma_wait3A_89 : memref<1x128x128xf32, #tpu.memory_space<vmem>> -> memref<128x128xf32, #tpu.memory_space<vmem>>
      %dma_wait3A_91 = arith.constant 0 : i32
      %dma_wait3A_92 = tpu.memref_slice %arg7[%scan3A_45, %dma_wait3A_91] : memref<160x128xi32, #tpu.memory_space<vmem>> -> memref<1x128xi32, #tpu.memory_space<vmem>>
      %dma_wait3A_93 = tpu.memref_squeeze %dma_wait3A_92 : memref<1x128xi32, #tpu.memory_space<vmem>> -> memref<128xi32, #tpu.memory_space<vmem>>
      %dma_wait3A_94 = arith.constant 0 : i32
      %dma_wait3A_95 = arith.constant 0 : i32
      %dma_wait3A_96 = tpu.memref_slice %arg2[%dma_wait3A_94, %dma_wait3A_95] : memref<10240x128xf32, #tpu.memory_space<hbm>> -> memref<10240x128xf32, #tpu.memory_space<hbm>>
      tpu.wait_indirect_dma semaphore(%arg11 : memref<!tpu.dma_semaphore, #tpu.memory_space<semaphore_mem>>) src(%dma_wait3A_96 : memref<10240x128xf32, #tpu.memory_space<hbm>>) dst(%dma_wait3A_90 : memref<128x128xf32, #tpu.memory_space<vmem>>)
      %jit3A_97 = arith.constant 2 : i32
      %eq3A_98 = arith.constant 0 : i32
      %eq3A_99 = arith.cmpi eq, %jit3A_97, %eq3A_98 : i32
      %jit3A_100 = arith.constant 1 : i32
      %select_n3A_101 = arith.select %eq3A_99, %jit3A_100, %jit3A_97 : i32
      %rem3A_102 = arith.remsi %scan3A_45, %select_n3A_101 : i32
      %ne3A_103 = arith.constant 0 : i32
      %ne3A_104 = arith.cmpi ne, %rem3A_102, %ne3A_103 : i32
      %lt3A_105 = arith.constant 0 : i32
      %lt3A_106 = arith.cmpi slt, %rem3A_102, %lt3A_105 : i32
      %lt3A_107 = arith.constant 0 : i32
      %lt3A_108 = arith.cmpi slt, %select_n3A_101, %lt3A_107 : i32
      %ne3A_109 = arith.xori %lt3A_106, %lt3A_108 : i1
      %and3A_110 = arith.andi %ne3A_109, %ne3A_104 : i1
      %add3A_111 = arith.addi %rem3A_102, %select_n3A_101 : i32
      %select_n3A_112 = arith.select %and3A_110, %add3A_111, %rem3A_102 : i32
      "tpu.region"() ({
        %run_scoped3A = tpu.sem_alloc : memref<!tpu.dma_semaphore, #tpu.memory_space<semaphore_mem>>
        %dma_start3A_114 = arith.constant 0 : i32
        %dma_start3A_115 = arith.constant 0 : i32
        %dma_start3A_116 = tpu.memref_slice %arg9[%select_n3A_112, %dma_start3A_114, %dma_start3A_115] : memref<2x128x128xf32, #tpu.memory_space<vmem>> -> memref<1x128x128xf32, #tpu.memory_space<vmem>>
        %dma_start3A_117 = tpu.memref_squeeze %dma_start3A_116 : memref<1x128x128xf32, #tpu.memory_space<vmem>> -> memref<128x128xf32, #tpu.memory_space<vmem>>
        %dma_start3A_118 = arith.constant 0 : i32
        %dma_start3A_119 = tpu.memref_slice %arg8[%scan3A_45, %dma_start3A_118] : memref<160x128xi32, #tpu.memory_space<vmem>> -> memref<1x128xi32, #tpu.memory_space<vmem>>
        %dma_start3A_120 = tpu.memref_squeeze %dma_start3A_119 : memref<1x128xi32, #tpu.memory_space<vmem>> -> memref<128xi32, #tpu.memory_space<vmem>>
        %dma_start3A_121 = arith.constant 0 : i32
        %dma_start3A_122 = arith.constant 0 : i32
        %dma_start3A_123 = tpu.memref_slice %arg10[%dma_start3A_121, %dma_start3A_122] : memref<5248x128xf32, #tpu.memory_space<vmem_shared>> -> memref<5248x128xf32, #tpu.memory_space<vmem_shared>>
        tpu.enqueue_indirect_dma source(%dma_start3A_117 : memref<128x128xf32, #tpu.memory_space<vmem>>) target(%dma_start3A_123 : memref<5248x128xf32, #tpu.memory_space<vmem_shared>>) offsets(%dma_start3A_120 : memref<128xi32, #tpu.memory_space<vmem>>) semaphore(%run_scoped3A : memref<!tpu.dma_semaphore, #tpu.memory_space<semaphore_mem>>) {add = true}
        %dma_wait3A_124 = arith.constant 0 : i32
        %dma_wait3A_125 = arith.constant 0 : i32
        %dma_wait3A_126 = tpu.memref_slice %arg9[%select_n3A_112, %dma_wait3A_124, %dma_wait3A_125] : memref<2x128x128xf32, #tpu.memory_space<vmem>> -> memref<1x128x128xf32, #tpu.memory_space<vmem>>
        %dma_wait3A_127 = tpu.memref_squeeze %dma_wait3A_126 : memref<1x128x128xf32, #tpu.memory_space<vmem>> -> memref<128x128xf32, #tpu.memory_space<vmem>>
        %dma_wait3A_128 = arith.constant 0 : i32
        %dma_wait3A_129 = tpu.memref_slice %arg8[%scan3A_45, %dma_wait3A_128] : memref<160x128xi32, #tpu.memory_space<vmem>> -> memref<1x128xi32, #tpu.memory_space<vmem>>
        %dma_wait3A_130 = tpu.memref_squeeze %dma_wait3A_129 : memref<1x128xi32, #tpu.memory_space<vmem>> -> memref<128xi32, #tpu.memory_space<vmem>>
        %dma_wait3A_131 = arith.constant 0 : i32
        %dma_wait3A_132 = arith.constant 0 : i32
        %dma_wait3A_133 = tpu.memref_slice %arg10[%dma_wait3A_131, %dma_wait3A_132] : memref<5248x128xf32, #tpu.memory_space<vmem_shared>> -> memref<5248x128xf32, #tpu.memory_space<vmem_shared>>
        tpu.wait_indirect_dma semaphore(%run_scoped3A : memref<!tpu.dma_semaphore, #tpu.memory_space<semaphore_mem>>) src(%dma_wait3A_127 : memref<128x128xf32, #tpu.memory_space<vmem>>) dst(%dma_wait3A_133 : memref<5248x128xf32, #tpu.memory_space<vmem_shared>>)
        tpu.yield
      }) : () -> ()
      %scan3A_113 = arith.constant 0 : i32
      scf.yield %scan3A_113 : i32
    }
    %scan3A_27 = arith.constant 160 : i32
    %dma_wait3A = arith.constant 159 : i32
    %dma_wait3A_28 = arith.constant 0 : i32
    %dma_wait3A_29 = arith.constant 0 : i32
    %dma_wait3A_30 = arith.constant 0 : i32
    %dma_wait3A_31 = tpu.memref_slice %arg9[%dma_wait3A_28, %dma_wait3A_29, %dma_wait3A_30] : memref<2x128x128xf32, #tpu.memory_space<vmem>> -> memref<1x128x128xf32, #tpu.memory_space<vmem>>
    %dma_wait3A_32 = tpu.memref_squeeze %dma_wait3A_31 : memref<1x128x128xf32, #tpu.memory_space<vmem>> -> memref<128x128xf32, #tpu.memory_space<vmem>>
    %dma_wait3A_33 = arith.constant 0 : i32
    %dma_wait3A_34 = tpu.memref_slice %arg7[%dma_wait3A, %dma_wait3A_33] : memref<160x128xi32, #tpu.memory_space<vmem>> -> memref<1x128xi32, #tpu.memory_space<vmem>>
    %dma_wait3A_35 = tpu.memref_squeeze %dma_wait3A_34 : memref<1x128xi32, #tpu.memory_space<vmem>> -> memref<128xi32, #tpu.memory_space<vmem>>
    %dma_wait3A_36 = arith.constant 0 : i32
    %dma_wait3A_37 = arith.constant 0 : i32
    %dma_wait3A_38 = tpu.memref_slice %arg2[%dma_wait3A_36, %dma_wait3A_37] : memref<10240x128xf32, #tpu.memory_space<hbm>> -> memref<10240x128xf32, #tpu.memory_space<hbm>>
    tpu.wait_indirect_dma semaphore(%arg11 : memref<!tpu.dma_semaphore, #tpu.memory_space<semaphore_mem>>) src(%dma_wait3A_38 : memref<10240x128xf32, #tpu.memory_space<hbm>>) dst(%dma_wait3A_32 : memref<128x128xf32, #tpu.memory_space<vmem>>)
    %barrier3A_39 = arith.constant 0 : index
    tpu.barrier barrier_id(%barrier3A_39)
    %mul3A_40 = arith.constant 320 : i32
    %mul3A_41 = arith.muli %arg1, %mul3A_40 : i32
    %mul3A_42 = arith.constant 320 : i32
    %mul3A_43 = arith.muli %arg1, %mul3A_42 : i32
    %add3A_44 = arith.addi %mul3A_0, %mul3A_43 : i32
    "tpu.region"() ({
      %run_scoped3A = tpu.sem_alloc : memref<!tpu.dma_semaphore, #tpu.memory_space<semaphore_mem>>
      %dma_start3A_45 = arith.constant 0 : i32
      %dma_start3A_46 = tpu.memref_slice %arg6[%add3A_44, %dma_start3A_45] : memref<10240x128xf32, #tpu.memory_space<hbm>> -> memref<320x128xf32, #tpu.memory_space<hbm>>
      %dma_start3A_47 = arith.constant 0 : i32
      %dma_start3A_48 = tpu.memref_slice %arg10[%mul3A_41, %dma_start3A_47] : memref<5248x128xf32, #tpu.memory_space<vmem_shared>> -> memref<320x128xf32, #tpu.memory_space<vmem_shared>>
      tpu.enqueue_dma source(%dma_start3A_48 : memref<320x128xf32, #tpu.memory_space<vmem_shared>>) target(%dma_start3A_46 : memref<320x128xf32, #tpu.memory_space<hbm>>) target_semaphore(%run_scoped3A : memref<!tpu.dma_semaphore, #tpu.memory_space<semaphore_mem>>)
      %dma_wait3A_49 = arith.constant 0 : i32
      %dma_wait3A_50 = tpu.memref_slice %arg6[%add3A_44, %dma_wait3A_49] : memref<10240x128xf32, #tpu.memory_space<hbm>> -> memref<320x128xf32, #tpu.memory_space<hbm>>
      %dma_wait3A_51 = arith.constant 0 : i32
      %dma_wait3A_52 = tpu.memref_slice %arg10[%mul3A_41, %dma_wait3A_51] : memref<5248x128xf32, #tpu.memory_space<vmem_shared>> -> memref<320x128xf32, #tpu.memory_space<vmem_shared>>
      tpu.wait_dma2 semaphore(%run_scoped3A : memref<!tpu.dma_semaphore, #tpu.memory_space<semaphore_mem>>) src(%dma_wait3A_52 : memref<320x128xf32, #tpu.memory_space<vmem_shared>>) dst(%dma_wait3A_50 : memref<320x128xf32, #tpu.memory_space<hbm>>)
      tpu.yield
    }) : () -> ()
    return
  }
}

#map = affine_map<(d0, d1) -> (0, 0)>
module attributes {stable_mosaic.version = 14 : i64} {
  func.func @deg_fn(%arg0: i32, %arg1: i32, %arg2: memref<5120x128xi32, #tpu.memory_space<hbm>>, %arg3: memref<128x128xf32, #tpu.memory_space<hbm>>, %arg4: memref<5248x128xf32, #tpu.memory_space<hbm>>, %arg5: memref<10240x128xf32, #tpu.memory_space<hbm>>, %arg6: memref<160x128xi32, #tpu.memory_space<vmem>>, %arg7: memref<128x128xf32, #tpu.memory_space<vmem>>, %arg8: memref<5248x128xf32, #tpu.memory_space<vmem_shared>>) attributes {dimension_semantics = [#tpu.dimension_semantics<core_parallel>, #tpu.dimension_semantics<subcore_parallel>], iteration_bounds = array<i64: 2, 16>, scalar_prefetch = 0 : i64, scratch_operands = 3 : i64, tpu.core_type = #tpu.core_type<sc_vector_subcore>, window_params = [{transform_indices = #map}, {transform_indices = #map}, {transform_indices = #map}, {transform_indices = #map}]} {
    %mul3A = arith.constant 5120 : i32
    %mul3A_0 = arith.muli %arg0, %mul3A : i32
    %mul3A_1 = arith.constant 328 : i32
    %mul3A_2 = arith.muli %arg1, %mul3A_1 : i32
    %mul3A_3 = arith.constant 328 : i32
    %mul3A_4 = arith.muli %arg1, %mul3A_3 : i32
    "tpu.region"() ({
      %run_scoped3A = tpu.sem_alloc : memref<!tpu.dma_semaphore, #tpu.memory_space<semaphore_mem>>
      %dma_start3A = arith.constant 0 : i32
      %dma_start3A_21 = tpu.memref_slice %arg8[%mul3A_4, %dma_start3A] : memref<5248x128xf32, #tpu.memory_space<vmem_shared>> -> memref<328x128xf32, #tpu.memory_space<vmem_shared>>
      %dma_start3A_22 = arith.constant 0 : i32
      %dma_start3A_23 = tpu.memref_slice %arg4[%mul3A_2, %dma_start3A_22] : memref<5248x128xf32, #tpu.memory_space<hbm>> -> memref<328x128xf32, #tpu.memory_space<hbm>>
      tpu.enqueue_dma source(%dma_start3A_23 : memref<328x128xf32, #tpu.memory_space<hbm>>) target(%dma_start3A_21 : memref<328x128xf32, #tpu.memory_space<vmem_shared>>) target_semaphore(%run_scoped3A : memref<!tpu.dma_semaphore, #tpu.memory_space<semaphore_mem>>)
      %dma_wait3A = arith.constant 0 : i32
      %dma_wait3A_24 = tpu.memref_slice %arg8[%mul3A_4, %dma_wait3A] : memref<5248x128xf32, #tpu.memory_space<vmem_shared>> -> memref<328x128xf32, #tpu.memory_space<vmem_shared>>
      %dma_wait3A_25 = arith.constant 0 : i32
      %dma_wait3A_26 = tpu.memref_slice %arg4[%mul3A_2, %dma_wait3A_25] : memref<5248x128xf32, #tpu.memory_space<hbm>> -> memref<328x128xf32, #tpu.memory_space<hbm>>
      tpu.wait_dma2 semaphore(%run_scoped3A : memref<!tpu.dma_semaphore, #tpu.memory_space<semaphore_mem>>) src(%dma_wait3A_26 : memref<328x128xf32, #tpu.memory_space<hbm>>) dst(%dma_wait3A_24 : memref<328x128xf32, #tpu.memory_space<vmem_shared>>)
      tpu.yield
    }) : () -> ()
    %mul3A_5 = arith.constant 16 : i32
    %mul3A_6 = arith.muli %arg0, %mul3A_5 : i32
    %add3A = arith.addi %mul3A_6, %arg1 : i32
    %mul3A_7 = arith.constant 160 : i32
    %mul3A_8 = arith.muli %add3A, %mul3A_7 : i32
    "tpu.region"() ({
      %run_scoped3A = tpu.sem_alloc : memref<!tpu.dma_semaphore, #tpu.memory_space<semaphore_mem>>
      %dma_start3A = arith.constant 0 : i32
      %dma_start3A_21 = tpu.memref_slice %arg2[%mul3A_8, %dma_start3A] : memref<5120x128xi32, #tpu.memory_space<hbm>> -> memref<160x128xi32, #tpu.memory_space<hbm>>
      %dma_start3A_22 = arith.constant 0 : i32
      %dma_start3A_23 = tpu.memref_slice %arg2[%mul3A_8, %dma_start3A_22] : memref<5120x128xi32, #tpu.memory_space<hbm>> -> memref<160x128xi32, #tpu.memory_space<hbm>>
      tpu.enqueue_dma source(%dma_start3A_23 : memref<160x128xi32, #tpu.memory_space<hbm>>) target(%arg6 : memref<160x128xi32, #tpu.memory_space<vmem>>) target_semaphore(%run_scoped3A : memref<!tpu.dma_semaphore, #tpu.memory_space<semaphore_mem>>)
      %dma_wait3A = arith.constant 0 : i32
      %dma_wait3A_24 = tpu.memref_slice %arg2[%mul3A_8, %dma_wait3A] : memref<5120x128xi32, #tpu.memory_space<hbm>> -> memref<160x128xi32, #tpu.memory_space<hbm>>
      %dma_wait3A_25 = arith.constant 0 : i32
      %dma_wait3A_26 = tpu.memref_slice %arg2[%mul3A_8, %dma_wait3A_25] : memref<5120x128xi32, #tpu.memory_space<hbm>> -> memref<160x128xi32, #tpu.memory_space<hbm>>
      tpu.wait_dma2 semaphore(%run_scoped3A : memref<!tpu.dma_semaphore, #tpu.memory_space<semaphore_mem>>) src(%dma_wait3A_26 : memref<160x128xi32, #tpu.memory_space<hbm>>) dst(%arg6 : memref<160x128xi32, #tpu.memory_space<vmem>>)
      tpu.yield
    }) : () -> ()
    "tpu.region"() ({
      %run_scoped3A = tpu.sem_alloc : memref<!tpu.dma_semaphore, #tpu.memory_space<semaphore_mem>>
      tpu.enqueue_dma source(%arg3 : memref<128x128xf32, #tpu.memory_space<hbm>>) target(%arg7 : memref<128x128xf32, #tpu.memory_space<vmem>>) target_semaphore(%run_scoped3A : memref<!tpu.dma_semaphore, #tpu.memory_space<semaphore_mem>>)
      tpu.wait_dma2 semaphore(%run_scoped3A : memref<!tpu.dma_semaphore, #tpu.memory_space<semaphore_mem>>) src(%arg3 : memref<128x128xf32, #tpu.memory_space<hbm>>) dst(%arg7 : memref<128x128xf32, #tpu.memory_space<vmem>>)
      tpu.yield
    }) : () -> ()
    %barrier3A = arith.constant 0 : index
    tpu.barrier barrier_id(%barrier3A)
    %scan3A = arith.constant 0 : i32
    %scan3A_9 = arith.constant 0 : i32
    %scan3A_10 = arith.constant 160 : i32
    %scan3A_11 = arith.addi %scan3A_9, %scan3A_10 : i32
    %scan3A_12 = arith.constant 1 : i32
    %scan3A_13 = scf.for %scan3A_21 = %scan3A_9 to %scan3A_11 step %scan3A_12 iter_args(%scan3A_22 = %scan3A) -> (i32)  : i32 {
      "tpu.region"() ({
        %run_scoped3A = tpu.sem_alloc : memref<!tpu.dma_semaphore, #tpu.memory_space<semaphore_mem>>
        %dma_start3A = arith.constant 0 : i32
        %dma_start3A_24 = tpu.memref_slice %arg6[%scan3A_21, %dma_start3A] : memref<160x128xi32, #tpu.memory_space<vmem>> -> memref<1x128xi32, #tpu.memory_space<vmem>>
        %dma_start3A_25 = tpu.memref_squeeze %dma_start3A_24 : memref<1x128xi32, #tpu.memory_space<vmem>> -> memref<128xi32, #tpu.memory_space<vmem>>
        %dma_start3A_26 = arith.constant 0 : i32
        %dma_start3A_27 = arith.constant 0 : i32
        %dma_start3A_28 = tpu.memref_slice %arg8[%dma_start3A_26, %dma_start3A_27] : memref<5248x128xf32, #tpu.memory_space<vmem_shared>> -> memref<5248x128xf32, #tpu.memory_space<vmem_shared>>
        tpu.enqueue_indirect_dma source(%arg7 : memref<128x128xf32, #tpu.memory_space<vmem>>) target(%dma_start3A_28 : memref<5248x128xf32, #tpu.memory_space<vmem_shared>>) offsets(%dma_start3A_25 : memref<128xi32, #tpu.memory_space<vmem>>) semaphore(%run_scoped3A : memref<!tpu.dma_semaphore, #tpu.memory_space<semaphore_mem>>) {add = true}
        %dma_wait3A = arith.constant 0 : i32
        %dma_wait3A_29 = tpu.memref_slice %arg6[%scan3A_21, %dma_wait3A] : memref<160x128xi32, #tpu.memory_space<vmem>> -> memref<1x128xi32, #tpu.memory_space<vmem>>
        %dma_wait3A_30 = tpu.memref_squeeze %dma_wait3A_29 : memref<1x128xi32, #tpu.memory_space<vmem>> -> memref<128xi32, #tpu.memory_space<vmem>>
        %dma_wait3A_31 = arith.constant 0 : i32
        %dma_wait3A_32 = arith.constant 0 : i32
        %dma_wait3A_33 = tpu.memref_slice %arg8[%dma_wait3A_31, %dma_wait3A_32] : memref<5248x128xf32, #tpu.memory_space<vmem_shared>> -> memref<5248x128xf32, #tpu.memory_space<vmem_shared>>
        tpu.wait_indirect_dma semaphore(%run_scoped3A : memref<!tpu.dma_semaphore, #tpu.memory_space<semaphore_mem>>) src(%arg7 : memref<128x128xf32, #tpu.memory_space<vmem>>) dst(%dma_wait3A_33 : memref<5248x128xf32, #tpu.memory_space<vmem_shared>>)
        tpu.yield
      }) : () -> ()
      %scan3A_23 = arith.constant 0 : i32
      scf.yield %scan3A_23 : i32
    }
    %scan3A_14 = arith.constant 160 : i32
    %barrier3A_15 = arith.constant 0 : index
    tpu.barrier barrier_id(%barrier3A_15)
    %mul3A_16 = arith.constant 320 : i32
    %mul3A_17 = arith.muli %arg1, %mul3A_16 : i32
    %mul3A_18 = arith.constant 320 : i32
    %mul3A_19 = arith.muli %arg1, %mul3A_18 : i32
    %add3A_20 = arith.addi %mul3A_0, %mul3A_19 : i32
    "tpu.region"() ({
      %run_scoped3A = tpu.sem_alloc : memref<!tpu.dma_semaphore, #tpu.memory_space<semaphore_mem>>
      %dma_start3A = arith.constant 0 : i32
      %dma_start3A_21 = tpu.memref_slice %arg5[%add3A_20, %dma_start3A] : memref<10240x128xf32, #tpu.memory_space<hbm>> -> memref<320x128xf32, #tpu.memory_space<hbm>>
      %dma_start3A_22 = arith.constant 0 : i32
      %dma_start3A_23 = tpu.memref_slice %arg8[%mul3A_17, %dma_start3A_22] : memref<5248x128xf32, #tpu.memory_space<vmem_shared>> -> memref<320x128xf32, #tpu.memory_space<vmem_shared>>
      tpu.enqueue_dma source(%dma_start3A_23 : memref<320x128xf32, #tpu.memory_space<vmem_shared>>) target(%dma_start3A_21 : memref<320x128xf32, #tpu.memory_space<hbm>>) target_semaphore(%run_scoped3A : memref<!tpu.dma_semaphore, #tpu.memory_space<semaphore_mem>>)
      %dma_wait3A = arith.constant 0 : i32
      %dma_wait3A_24 = tpu.memref_slice %arg5[%add3A_20, %dma_wait3A] : memref<10240x128xf32, #tpu.memory_space<hbm>> -> memref<320x128xf32, #tpu.memory_space<hbm>>
      %dma_wait3A_25 = arith.constant 0 : i32
      %dma_wait3A_26 = tpu.memref_slice %arg8[%mul3A_17, %dma_wait3A_25] : memref<5248x128xf32, #tpu.memory_space<vmem_shared>> -> memref<320x128xf32, #tpu.memory_space<vmem_shared>>
      tpu.wait_dma2 semaphore(%run_scoped3A : memref<!tpu.dma_semaphore, #tpu.memory_space<semaphore_mem>>) src(%dma_wait3A_26 : memref<320x128xf32, #tpu.memory_space<vmem_shared>>) dst(%dma_wait3A_24 : memref<320x128xf32, #tpu.memory_space<hbm>>)
      tpu.yield
    }) : () -> ()
    return
  }
}

module attributes {stable_mosaic.version = 14 : i64} {
  func.func @_stage1_body(%arg0: i32, %arg1: memref<640x128xf32, #tpu.memory_space<vmem>>, %arg2: memref<128x128xf32, #tpu.memory_space<vmem>>, %arg3: memref<640x128xf32, #tpu.memory_space<vmem>>) attributes {dimension_semantics = [#tpu.dimension_semantics<arbitrary>], iteration_bounds = array<i64: 16>, scalar_prefetch = 0 : i64, scratch_operands = 0 : i64, tpu.core_type = #tpu.core_type<tc>, window_params = [{transform_indices = @transform_0, window_bounds = array<i64: 640, 128>}, {pipeline_mode = #tpu.pipeline_mode<synchronous>, transform_indices = @transform_1, window_bounds = array<i64: 128, 128>}, {transform_indices = @transform_2, window_bounds = array<i64: 640, 128>}]} {
    %get3A = arith.constant 0 : index
    %get3A_0 = arith.constant 0 : index
    %get3A_1 = vector.load %arg1[%get3A, %get3A_0] : memref<640x128xf32, #tpu.memory_space<vmem>>, vector<640x128xf32>
    %mul3A = arith.mulf %get3A_1, %get3A_1 : vector<640x128xf32>
    %reduce_sum3A = arith.constant dense<0.000000e+00> : vector<640xf32>
    %reduce_sum3A_2 = vector.multi_reduction <add>, %mul3A, %reduce_sum3A [1] : vector<640x128xf32> to vector<640xf32>
    %broadcast_in_dim3A = vector.shape_cast %reduce_sum3A_2 : vector<640xf32> to vector<640x1xf32>
    %gt3A = arith.constant 37.2470207 : f32
    %gt3A_3 = vector.broadcast %gt3A : f32 to vector<640x1xf32>
    %gt3A_4 = arith.cmpf ogt, %broadcast_in_dim3A, %gt3A_3 : vector<640x1xf32>
    %rsqrt3A = math.rsqrt %broadcast_in_dim3A : vector<640x1xf32>
    %mul3A_5 = arith.constant 6.10303401 : f32
    %mul3A_6 = vector.broadcast %mul3A_5 : f32 to vector<640x1xf32>
    %mul3A_7 = arith.mulf %mul3A_6, %rsqrt3A : vector<640x1xf32>
    %jit3A = arith.constant 1.000000e+00 : f32
    %broadcast_in_dim3A_8 = vector.broadcast %jit3A : f32 to vector<640x1xf32>
    %select_n3A = arith.select %gt3A_4, %mul3A_7, %broadcast_in_dim3A_8 : vector<640x1xi1>, vector<640x1xf32>
    %mul3A_9 = vector.broadcast %select_n3A : vector<640x1xf32> to vector<640x128xf32>
    %mul3A_10 = arith.mulf %get3A_1, %mul3A_9 : vector<640x128xf32>
    %get3A_11 = arith.constant 0 : index
    %get3A_12 = arith.constant 0 : index
    %get3A_13 = vector.load %arg2[%get3A_11, %get3A_12] : memref<128x128xf32, #tpu.memory_space<vmem>>, vector<128x128xf32>
    %dot_general3A = arith.constant dense<0.000000e+00> : vector<640x128xf32>
    %dot_general3A_14 = tpu.matmul %mul3A_10, %get3A_13, %dot_general3A {dimension_numbers = #tpu.dot_dimension_numbers<[1], [1], [0], [0], [0, 0, 1, 0], [], []>, transpose_lhs_hint = false} : vector<640x128xf32>, vector<128x128xf32>, vector<640x128xf32> -> vector<640x128xf32>
    %mul3A_15 = arith.mulf %dot_general3A_14, %dot_general3A_14 : vector<640x128xf32>
    %reduce_sum3A_16 = arith.constant dense<0.000000e+00> : vector<640xf32>
    %reduce_sum3A_17 = vector.multi_reduction <add>, %mul3A_15, %reduce_sum3A_16 [1] : vector<640x128xf32> to vector<640xf32>
    %broadcast_in_dim3A_18 = vector.shape_cast %reduce_sum3A_17 : vector<640xf32> to vector<640x1xf32>
    %gt3A_19 = arith.constant 37.2470207 : f32
    %gt3A_20 = vector.broadcast %gt3A_19 : f32 to vector<640x1xf32>
    %gt3A_21 = arith.cmpf ogt, %broadcast_in_dim3A_18, %gt3A_20 : vector<640x1xf32>
    %rsqrt3A_22 = math.rsqrt %broadcast_in_dim3A_18 : vector<640x1xf32>
    %mul3A_23 = arith.constant 6.10303401 : f32
    %mul3A_24 = vector.broadcast %mul3A_23 : f32 to vector<640x1xf32>
    %mul3A_25 = arith.mulf %mul3A_24, %rsqrt3A_22 : vector<640x1xf32>
    %jit3A_26 = arith.constant 1.000000e+00 : f32
    %broadcast_in_dim3A_27 = vector.broadcast %jit3A_26 : f32 to vector<640x1xf32>
    %select_n3A_28 = arith.select %gt3A_21, %mul3A_25, %broadcast_in_dim3A_27 : vector<640x1xi1>, vector<640x1xf32>
    %mul3A_29 = vector.broadcast %select_n3A_28 : vector<640x1xf32> to vector<640x128xf32>
    %mul3A_30 = arith.mulf %dot_general3A_14, %mul3A_29 : vector<640x128xf32>
    %swap3A = arith.constant 0 : index
    %swap3A_31 = arith.constant 0 : index
    %swap3A_32 = vector.load %arg3[%swap3A, %swap3A_31] : memref<640x128xf32, #tpu.memory_space<vmem>>, vector<640x128xf32>
    tpu.vector_store %arg3[%swap3A, %swap3A_31], %mul3A_30 {strides = array<i32>} : memref<640x128xf32, #tpu.memory_space<vmem>>, vector<640x128xf32>,
    return
  }
  func.func @transform_0(%arg0: i32) -> (i32, i32) {
    %c0_i32 = arith.constant 0 : i32
    %c0_i32_0 = arith.constant 0 : i32
    return %arg0, %c0_i32 : i32, i32
  }
  func.func @transform_1(%arg0: i32) -> (i32, i32) {
    %c0_i32 = arith.constant 0 : i32
    %c0_i32_0 = arith.constant 0 : i32
    %c0_i32_1 = arith.constant 0 : i32
    return %c0_i32, %c0_i32_0 : i32, i32
  }
  func.func @transform_2(%arg0: i32) -> (i32, i32) {
    %c0_i32 = arith.constant 0 : i32
    %c0_i32_0 = arith.constant 0 : i32
    return %arg0, %c0_i32 : i32, i32
  }
}

module attributes {stable_mosaic.version = 14 : i64} {
  func.func @_stage_mid_body(%arg0: i32, %arg1: memref<640x128xf32, #tpu.memory_space<vmem>>, %arg2: memref<640x1xf32, #tpu.memory_space<vmem>>, %arg3: memref<128x128xf32, #tpu.memory_space<vmem>>, %arg4: memref<640x128xf32, #tpu.memory_space<vmem>>) attributes {dimension_semantics = [#tpu.dimension_semantics<arbitrary>], iteration_bounds = array<i64: 16>, scalar_prefetch = 0 : i64, scratch_operands = 0 : i64, tpu.core_type = #tpu.core_type<tc>, window_params = [{transform_indices = @transform_0, window_bounds = array<i64: 640, 128>}, {transform_indices = @transform_1, window_bounds = array<i64: 640, 1>}, {pipeline_mode = #tpu.pipeline_mode<synchronous>, transform_indices = @transform_2, window_bounds = array<i64: 128, 128>}, {transform_indices = @transform_3, window_bounds = array<i64: 640, 128>}]} {
    %get3A = arith.constant 0 : index
    %get3A_0 = arith.constant 0 : index
    %get3A_1 = vector.load %arg2[%get3A, %get3A_0] : memref<640x1xf32, #tpu.memory_space<vmem>>, vector<640x1xf32>
    %max3A = arith.constant 1.000000e+00 : f32
    %max3A_2 = vector.broadcast %max3A : f32 to vector<640x1xf32>
    %max3A_3 = arith.maximumf %get3A_1, %max3A_2 : vector<640x1xf32>
    %div3A = arith.constant 1.000000e+00 : f32
    %div3A_4 = vector.broadcast %div3A : f32 to vector<640x1xf32>
    %div3A_5 = arith.divf %div3A_4, %max3A_3 : vector<640x1xf32>
    %get3A_6 = arith.constant 0 : index
    %get3A_7 = arith.constant 0 : index
    %get3A_8 = vector.load %arg1[%get3A_6, %get3A_7] : memref<640x128xf32, #tpu.memory_space<vmem>>, vector<640x128xf32>
    %max3A_9 = arith.constant 0.000000e+00 : f32
    %max3A_10 = vector.broadcast %max3A_9 : f32 to vector<640x128xf32>
    %max3A_11 = arith.maximumf %get3A_8, %max3A_10 : vector<640x128xf32>
    %mul3A = vector.broadcast %div3A_5 : vector<640x1xf32> to vector<640x128xf32>
    %mul3A_12 = arith.mulf %max3A_11, %mul3A : vector<640x128xf32>
    %get3A_13 = arith.constant 0 : index
    %get3A_14 = arith.constant 0 : index
    %get3A_15 = vector.load %arg3[%get3A_13, %get3A_14] : memref<128x128xf32, #tpu.memory_space<vmem>>, vector<128x128xf32>
    %dot_general3A = arith.constant dense<0.000000e+00> : vector<640x128xf32>
    %dot_general3A_16 = tpu.matmul %mul3A_12, %get3A_15, %dot_general3A {dimension_numbers = #tpu.dot_dimension_numbers<[1], [1], [0], [0], [0, 0, 1, 0], [], []>, transpose_lhs_hint = false} : vector<640x128xf32>, vector<128x128xf32>, vector<640x128xf32> -> vector<640x128xf32>
    %mul3A_17 = arith.mulf %dot_general3A_16, %dot_general3A_16 : vector<640x128xf32>
    %reduce_sum3A = arith.constant dense<0.000000e+00> : vector<640xf32>
    %reduce_sum3A_18 = vector.multi_reduction <add>, %mul3A_17, %reduce_sum3A [1] : vector<640x128xf32> to vector<640xf32>
    %broadcast_in_dim3A = vector.shape_cast %reduce_sum3A_18 : vector<640xf32> to vector<640x1xf32>
    %gt3A = arith.constant 37.2470207 : f32
    %gt3A_19 = vector.broadcast %gt3A : f32 to vector<640x1xf32>
    %gt3A_20 = arith.cmpf ogt, %broadcast_in_dim3A, %gt3A_19 : vector<640x1xf32>
    %rsqrt3A = math.rsqrt %broadcast_in_dim3A : vector<640x1xf32>
    %mul3A_21 = arith.constant 6.10303401 : f32
    %mul3A_22 = vector.broadcast %mul3A_21 : f32 to vector<640x1xf32>
    %mul3A_23 = arith.mulf %mul3A_22, %rsqrt3A : vector<640x1xf32>
    %jit3A = arith.constant 1.000000e+00 : f32
    %broadcast_in_dim3A_24 = vector.broadcast %jit3A : f32 to vector<640x1xf32>
    %select_n3A = arith.select %gt3A_20, %mul3A_23, %broadcast_in_dim3A_24 : vector<640x1xi1>, vector<640x1xf32>
    %mul3A_25 = vector.broadcast %select_n3A : vector<640x1xf32> to vector<640x128xf32>
    %mul3A_26 = arith.mulf %dot_general3A_16, %mul3A_25 : vector<640x128xf32>
    %swap3A = arith.constant 0 : index
    %swap3A_27 = arith.constant 0 : index
    %swap3A_28 = vector.load %arg4[%swap3A, %swap3A_27] : memref<640x128xf32, #tpu.memory_space<vmem>>, vector<640x128xf32>
    tpu.vector_store %arg4[%swap3A, %swap3A_27], %mul3A_26 {strides = array<i32>} : memref<640x128xf32, #tpu.memory_space<vmem>>, vector<640x128xf32>,
    return
  }
  func.func @transform_0(%arg0: i32) -> (i32, i32) {
    %c0_i32 = arith.constant 0 : i32
    %c0_i32_0 = arith.constant 0 : i32
    return %arg0, %c0_i32 : i32, i32
  }
  func.func @transform_1(%arg0: i32) -> (i32, i32) {
    %c0_i32 = arith.constant 0 : i32
    %c0_i32_0 = arith.constant 0 : i32
    return %arg0, %c0_i32 : i32, i32
  }
  func.func @transform_2(%arg0: i32) -> (i32, i32) {
    %c0_i32 = arith.constant 0 : i32
    %c0_i32_0 = arith.constant 0 : i32
    %c0_i32_1 = arith.constant 0 : i32
    return %c0_i32, %c0_i32_0 : i32, i32
  }
  func.func @transform_3(%arg0: i32) -> (i32, i32) {
    %c0_i32 = arith.constant 0 : i32
    %c0_i32_0 = arith.constant 0 : i32
    return %arg0, %c0_i32 : i32, i32
  }
}

module attributes {stable_mosaic.version = 14 : i64} {
  func.func @_head_body(%arg0: i32, %arg1: memref<640x128xf32, #tpu.memory_space<vmem>>, %arg2: memref<640x1xf32, #tpu.memory_space<vmem>>, %arg3: memref<64x128xf32, #tpu.memory_space<vmem>>, %arg4: memref<1x64xf32, #tpu.memory_space<vmem>>, %arg5: memref<16x64xf32, #tpu.memory_space<vmem>>, %arg6: memref<1x16xf32, #tpu.memory_space<vmem>>, %arg7: memref<640x16xf32, #tpu.memory_space<vmem>>) attributes {dimension_semantics = [#tpu.dimension_semantics<arbitrary>], iteration_bounds = array<i64: 16>, scalar_prefetch = 0 : i64, scratch_operands = 0 : i64, tpu.core_type = #tpu.core_type<tc>, window_params = [{transform_indices = @transform_0, window_bounds = array<i64: 640, 128>}, {transform_indices = @transform_1, window_bounds = array<i64: 640, 1>}, {pipeline_mode = #tpu.pipeline_mode<synchronous>, transform_indices = @transform_2, window_bounds = array<i64: 64, 128>}, {pipeline_mode = #tpu.pipeline_mode<synchronous>, transform_indices = @transform_3, window_bounds = array<i64: 1, 64>}, {pipeline_mode = #tpu.pipeline_mode<synchronous>, transform_indices = @transform_4, window_bounds = array<i64: 16, 64>}, {pipeline_mode = #tpu.pipeline_mode<synchronous>, transform_indices = @transform_5, window_bounds = array<i64: 1, 16>}, {transform_indices = @transform_6, window_bounds = array<i64: 640, 16>}]} {
    %get3A = arith.constant 0 : index
    %get3A_0 = arith.constant 0 : index
    %get3A_1 = vector.load %arg2[%get3A, %get3A_0] : memref<640x1xf32, #tpu.memory_space<vmem>>, vector<640x1xf32>
    %max3A = arith.constant 1.000000e+00 : f32
    %max3A_2 = vector.broadcast %max3A : f32 to vector<640x1xf32>
    %max3A_3 = arith.maximumf %get3A_1, %max3A_2 : vector<640x1xf32>
    %div3A = arith.constant 1.000000e+00 : f32
    %div3A_4 = vector.broadcast %div3A : f32 to vector<640x1xf32>
    %div3A_5 = arith.divf %div3A_4, %max3A_3 : vector<640x1xf32>
    %get3A_6 = arith.constant 0 : index
    %get3A_7 = arith.constant 0 : index
    %get3A_8 = vector.load %arg1[%get3A_6, %get3A_7] : memref<640x128xf32, #tpu.memory_space<vmem>>, vector<640x128xf32>
    %max3A_9 = arith.constant 0.000000e+00 : f32
    %max3A_10 = vector.broadcast %max3A_9 : f32 to vector<640x128xf32>
    %max3A_11 = arith.maximumf %get3A_8, %max3A_10 : vector<640x128xf32>
    %mul3A = vector.broadcast %div3A_5 : vector<640x1xf32> to vector<640x128xf32>
    %mul3A_12 = arith.mulf %max3A_11, %mul3A : vector<640x128xf32>
    %get3A_13 = arith.constant 0 : index
    %get3A_14 = arith.constant 0 : index
    %get3A_15 = vector.load %arg3[%get3A_13, %get3A_14] : memref<64x128xf32, #tpu.memory_space<vmem>>, vector<64x128xf32>
    %dot_general3A = arith.constant dense<0.000000e+00> : vector<640x64xf32>
    %dot_general3A_16 = tpu.matmul %mul3A_12, %get3A_15, %dot_general3A {dimension_numbers = #tpu.dot_dimension_numbers<[1], [1], [0], [0], [0, 0, 1, 0], [], []>, transpose_lhs_hint = false} : vector<640x128xf32>, vector<64x128xf32>, vector<640x64xf32> -> vector<640x64xf32>
    %get3A_17 = arith.constant 0 : index
    %get3A_18 = arith.constant 0 : index
    %get3A_19 = vector.load %arg4[%get3A_17, %get3A_18] : memref<1x64xf32, #tpu.memory_space<vmem>>, vector<1x64xf32>
    %add3A = vector.broadcast %get3A_19 : vector<1x64xf32> to vector<640x64xf32>
    %add3A_20 = arith.addf %dot_general3A_16, %add3A : vector<640x64xf32>
    %max3A_21 = arith.constant 0.000000e+00 : f32
    %max3A_22 = vector.broadcast %max3A_21 : f32 to vector<640x64xf32>
    %max3A_23 = arith.maximumf %add3A_20, %max3A_22 : vector<640x64xf32>
    %get3A_24 = arith.constant 0 : index
    %get3A_25 = arith.constant 0 : index
    %get3A_26 = vector.load %arg5[%get3A_24, %get3A_25] : memref<16x64xf32, #tpu.memory_space<vmem>>, vector<16x64xf32>
    %dot_general3A_27 = arith.constant dense<0.000000e+00> : vector<640x16xf32>
    %dot_general3A_28 = tpu.matmul %max3A_23, %get3A_26, %dot_general3A_27 {dimension_numbers = #tpu.dot_dimension_numbers<[1], [1], [0], [0], [0, 0, 1, 0], [], []>, transpose_lhs_hint = false} : vector<640x64xf32>, vector<16x64xf32>, vector<640x16xf32> -> vector<640x16xf32>
    %get3A_29 = arith.constant 0 : index
    %get3A_30 = arith.constant 0 : index
    %get3A_31 = vector.load %arg6[%get3A_29, %get3A_30] : memref<1x16xf32, #tpu.memory_space<vmem>>, vector<1x16xf32>
    %add3A_32 = vector.broadcast %get3A_31 : vector<1x16xf32> to vector<640x16xf32>
    %add3A_33 = arith.addf %dot_general3A_28, %add3A_32 : vector<640x16xf32>
    %reduce_max3A = arith.constant dense<0xFF800000> : vector<640xf32>
    %reduce_max3A_34 = vector.multi_reduction <maximumf>, %add3A_33, %reduce_max3A [1] : vector<640x16xf32> to vector<640xf32>
    %broadcast_in_dim3A = vector.shape_cast %reduce_max3A_34 : vector<640xf32> to vector<640x1xf32>
    %sub3A = vector.broadcast %broadcast_in_dim3A : vector<640x1xf32> to vector<640x16xf32>
    %sub3A_35 = arith.subf %add3A_33, %sub3A : vector<640x16xf32>
    %exp3A = math.exp %sub3A_35 : vector<640x16xf32>
    %reduce_sum3A = arith.constant dense<0.000000e+00> : vector<640xf32>
    %reduce_sum3A_36 = vector.multi_reduction <add>, %exp3A, %reduce_sum3A [1] : vector<640x16xf32> to vector<640xf32>
    %broadcast_in_dim3A_37 = vector.shape_cast %reduce_sum3A_36 : vector<640xf32> to vector<640x1xf32>
    %log3A = math.log %broadcast_in_dim3A_37 : vector<640x1xf32>
    %add3A_38 = arith.addf %log3A, %broadcast_in_dim3A : vector<640x1xf32>
    %sub3A_39 = vector.broadcast %add3A_38 : vector<640x1xf32> to vector<640x16xf32>
    %sub3A_40 = arith.subf %add3A_33, %sub3A_39 : vector<640x16xf32>
    %swap3A = arith.constant 0 : index
    %swap3A_41 = arith.constant 0 : index
    %swap3A_42 = vector.load %arg7[%swap3A, %swap3A_41] : memref<640x16xf32, #tpu.memory_space<vmem>>, vector<640x16xf32>
    tpu.vector_store %arg7[%swap3A, %swap3A_41], %sub3A_40 {strides = array<i32>} : memref<640x16xf32, #tpu.memory_space<vmem>>, vector<640x16xf32>,
    return
  }
  func.func @transform_0(%arg0: i32) -> (i32, i32) {
    %c0_i32 = arith.constant 0 : i32
    %c0_i32_0 = arith.constant 0 : i32
    return %arg0, %c0_i32 : i32, i32
  }
  func.func @transform_1(%arg0: i32) -> (i32, i32) {
    %c0_i32 = arith.constant 0 : i32
    %c0_i32_0 = arith.constant 0 : i32
    return %arg0, %c0_i32 : i32, i32
  }
  func.func @transform_2(%arg0: i32) -> (i32, i32) {
    %c0_i32 = arith.constant 0 : i32
    %c0_i32_0 = arith.constant 0 : i32
    %c0_i32_1 = arith.constant 0 : i32
    return %c0_i32, %c0_i32_0 : i32, i32
  }
  func.func @transform_3(%arg0: i32) -> (i32, i32) {
    %c0_i32 = arith.constant 0 : i32
    %c0_i32_0 = arith.constant 0 : i32
    %c0_i32_1 = arith.constant 0 : i32
    return %c0_i32, %c0_i32_0 : i32, i32
  }
  func.func @transform_4(%arg0: i32) -> (i32, i32) {
    %c0_i32 = arith.constant 0 : i32
    %c0_i32_0 = arith.constant 0 : i32
    %c0_i32_1 = arith.constant 0 : i32
    return %c0_i32, %c0_i32_0 : i32, i32
  }
  func.func @transform_5(%arg0: i32) -> (i32, i32) {
    %c0_i32 = arith.constant 0 : i32
    %c0_i32_0 = arith.constant 0 : i32
    %c0_i32_1 = arith.constant 0 : i32
    return %c0_i32, %c0_i32_0 : i32, i32
  }
  func.func @transform_6(%arg0: i32) -> (i32, i32) {
    %c0_i32 = arith.constant 0 : i32
    %c0_i32_0 = arith.constant 0 : i32
    return %arg0, %c0_i32 : i32, i32
  }
}

</mosaic_0001>

<sc_bundles>
// kernel: kernel.10.cloned.1.call-start
scs
__scs_entry_jumppad:
0x0: {  	(pc) =	sbr.rel $0x88, $3  }
0x1: {  	(tag) =	ssettag $0x0;
	lr =	simm.s32 $0x1  }
0x2: {  	[smem:$0x3F98] =	sst lr;
	_ =	strace $0xD0000000  }
0x3: {  	_ = 	snop  }
0x4: {  	_ = 	snop  }
0x5: {  	_ = 	snop  }
0x6: {  	_ = 	snop  }
0x7: {  	_ = 	snop  }
__scs_overlays_trampoline_lowered:
0x8: {  	[smem:$0x3FA7] =	sst s0  }
0x9: {  	[smem:$0x3FA8] =	sst s1  }
0xa: {  	[smem:$0x3FA9] =	sst s2  }
0xb: {  	[smem:$0x3FAA] =	sst s3  }
0xc: {  	[smem:$0x3FAB] =	sst s4  }
0xd: {  	[smem:$0x3FAC] =	sst s5  }
0xe: {  	[smem:$0x3FAD] =	sst s6  }
0xf: {  	[smem:$0x3FAE] =	sst s7  }
0x10: {  	[smem:$0x3FAF] =	sst s8  }
0x11: {  	[smem:$0x3FB0] =	sst s9;
	s0 =	simm.s32 @!p0 $0x0  }
0x12: {  	s1 =	sld [smem:$0x3F96];
	s0 =	simm.s32 @p0 $0x1  }
0x13: {  	[smem:$0x3FB1] =	sst s0;
	s0 =	simm.s32 @!p1 $0x0  }
0x14: {  	s2 =	sld [smem:$0x3F95];
	s0 =	simm.s32 @p1 $0x1  }
0x15: {  	[smem:$0x3FB2] =	sst s0;
	s0 =	simm.s32 @!p2 $0x0  }
0x16: {  	s3 =	sld [smem:$0x3FDB];
	s0 =	simm.s32 @p2 $0x1  }
0x17: {  	s4 =	simm.s32 $0x1BF5;
	[smem:$0x3FB4] =	sst s0  }
0x18: {  	s0 =	sld [smem:$0x3F97];
	_ =	swait.ge [sflag:s4], $0x0  }
0x19: {  	s7 =	sld [smem:$0x3F98]  }
0x1a: {  	s8 =	sadd.s32 $0xFFFFE003, lr  }
0x1b: {  	s9 =	sadd.s32 $0xFFFFFEF7, lr;
	s5 =	simm.s32 $0xFFFFFFFF;
	p2 =	slt.u32 s8, $0xFFFFF086  }
0x1c: {  	p1 =	slt.u32 s9, $0xF7A;
	s5 =	simm.s32 @!p2 $0x0  }
0x1d: {  	s5 =	simm.s32 @p1 $0x1;
	p0 =	seq.s32 s7, s2  }
0x1e: {  	s7 =	smul.u32 @!p0 $0xF7A, s2;
	p2 =	seq.s32 @!p0 s5, $0x0  }
0x1f: {  	s9 =	smul.u32 $0xF7A, s1;
	s8 =	simm.s32 @!p0 $0x1BF5;
	p2 =	por !p2, p0  }
0x20: {  	[sflag:s8] =	ssyncset.s32 @!p0 $0xFFFFF086;
	s6 =	sadd.s32 @!p0 s3, s7;
	s7 =	simm.s32 @!p0 $0x108  }
0x21: {  	s3 =	sadd.s32 s3, s9;
	s6 =	sadd.s32 @!p0 $0x88, s6;
	s7 =	simm.s32 @p2 $0x1082  }
0x22: {  	[simem:s7], [sflag:s8] =	dma.local @!p0 [hbm:s6], $0xF7A  }
0x23: {  	s9 =	sor.u32 $0xD0000000, s2;
	s6 =	simm.s32 $0x108;
	_ =	swait.ge @!p0 [sflag:s8], $0x0  }
0x24: {  	s3 =	sadd.s32 $0x88, s3;
	s6 =	simm.s32 @!p1 $0x1082;
	[sflag:s4] =	ssyncset.s32 $0xFFFFF086  }
0x25: {  	[simem:s6], [sflag:s4] =	dma.local [hbm:s3], $0xF7A  }
0x26: {  	[smem:$0x3F98] =	sst s1;
	(tag) =	ssettag s2;
	_ =	strace s9  }
0x27: {  	s1 =	sld [smem:$0x3FA8]  }
0x28: {  	s2 =	sld [smem:$0x3FA9]  }
0x29: {  	s4 =	sld [smem:$0x3FAB]  }
0x2a: {  	p0 =	seq.s32 s5, $0x0;
	s5 =	sld [smem:$0x3FAC]  }
0x2b: {  	s6 =	sld [smem:$0x3FAD]  }
0x2c: {  	s7 =	sld [smem:$0x3FAE]  }
0x2d: {  	s3 =	simm.s32 $0x108;
	s8 =	sld [smem:$0x3FAF]  }
0x2e: {  	s3 =	simm.s32 @!p0 $0x1082;
	s9 =	sld [smem:$0x3FB0]  }
0x2f: {  	lr =	sadd.s32 s0, s3;
	s0 =	sld [smem:$0x3FA7]  }
0x30: {  	s3 =	sld [smem:$0x3FAA]  }
0x31: {  	[smem:$0x3FB3] =	sst s10  }
0x32: {  	s10 =	sld [smem:$0x3FB1];
	_ =	sdelay $0x3  }
0x33: {  	p0 =	seq.s32 s10, $0x1;
	s10 =	sld [smem:$0x3FB3];
	_ =	sdelay $0x3  }
0x34: {  	[smem:$0x3FB3] =	sst s10  }
0x35: {  	s10 =	sld [smem:$0x3FB2];
	_ =	sdelay $0x3  }
0x36: {  	p1 =	seq.s32 s10, $0x1;
	s10 =	sld [smem:$0x3FB3];
	_ =	sdelay $0x3  }
0x37: {  	[smem:$0x3FB3] =	sst s10  }
0x38: {  	s10 =	sld [smem:$0x3FB4]  }
0x39: {  	_ = 	snop;
	(pc) =	sbr.ind lr, $3  }
0x3a: {  	_ = 	snop  }
0x3b: {  	_ = 	snop  }
0x3c: {  	p2 =	seq.s32 s10, $0x1;
	s10 =	sld [smem:$0x3FB3]  }
0x3d: {  	_ =	shalt  }
0x3e: {  	_ =	shalt  }
0x3f: {  	_ =	shalt  }
0x40: {  	_ =	shalt  }
0x41: {  	_ =	shalt  }
0x42: {  	_ =	shalt  }
0x43: {  	_ =	shalt  }
0x44: {  	_ =	shalt  }
0x45: {  	_ =	shalt  }
0x46: {  	_ =	shalt  }
0x47: {  	_ =	shalt  }
0x48: {  	_ =	shalt  }
0x49: {  	_ =	shalt  }
0x4a: {  	_ =	shalt  }
0x4b: {  	_ =	shalt  }
0x4c: {  	_ =	shalt  }
0x4d: {  	_ =	shalt  }
0x4e: {  	_ =	shalt  }
0x4f: {  	_ =	shalt  }
0x50: {  	_ =	shalt  }
0x51: {  	_ =	shalt  }
0x52: {  	_ =	shalt  }
0x53: {  	_ =	shalt  }
0x54: {  	_ =	shalt  }
0x55: {  	_ =	shalt  }
0x56: {  	_ =	shalt  }
0x57: {  	_ =	shalt  }
0x58: {  	_ =	shalt  }
0x59: {  	_ =	shalt  }
0x5a: {  	_ =	shalt  }
0x5b: {  	_ =	shalt  }
0x5c: {  	_ =	shalt  }
0x5d: {  	_ =	shalt  }
0x5e: {  	_ =	shalt  }
0x5f: {  	_ =	shalt  }
0x60: {  	_ =	shalt  }
0x61: {  	_ =	shalt  }
0x62: {  	_ =	shalt  }
0x63: {  	_ =	shalt  }
0x64: {  	_ =	shalt  }
0x65: {  	_ =	shalt  }
0x66: {  	_ =	shalt  }
0x67: {  	_ =	shalt  }
0x68: {  	_ =	shalt  }
0x69: {  	_ =	shalt  }
0x6a: {  	_ =	shalt  }
0x6b: {  	_ =	shalt  }
0x6c: {  	_ =	shalt  }
0x6d: {  	_ =	shalt  }
0x6e: {  	_ =	shalt  }
0x6f: {  	_ =	shalt  }
0x70: {  	_ =	shalt  }
0x71: {  	_ =	shalt  }
0x72: {  	_ =	shalt  }
0x73: {  	_ =	shalt  }
0x74: {  	_ =	shalt  }
0x75: {  	_ =	shalt  }
0x76: {  	_ =	shalt  }
0x77: {  	_ =	shalt  }
0x78: {  	_ =	shalt  }
0x79: {  	_ =	shalt  }
0x7a: {  	_ =	shalt  }
0x7b: {  	_ =	shalt  }
0x7c: {  	_ =	shalt  }
0x7d: {  	_ =	shalt  }
0x7e: {  	_ =	shalt  }
0x7f: {  	_ =	shalt  }
0x80: {  	_ =	shalt  }
0x81: {  	_ =	shalt  }
0x82: {  	_ =	shalt  }
0x83: {  	_ =	shalt  }
0x84: {  	_ =	shalt  }
0x85: {  	_ =	shalt  }
0x86: {  	_ =	shalt  }
0x87: {  	_ =	shalt  }
.Lfunc_end0:
.L_simem_size_0:
called_computation_lowered:
.L_overlay_start_0:
0x88: {  	s2 =	sld [smem:$0x3FD9]  }
0x89: {  	s3 =	sld [smem:$0x3FFE];
	_ =	sdelay $0x1  }
0x8a: {  	s1 =	srdreg.scid  }
0x8b: {  	s0 =	sand.u32 $0x1, s1  }
0x8c: {  	s17 =	sshll.u32 s0, $0xA;
	s2 =	sadd.s32 s3, s2  }
0x8d: {  	s2 =	sadd.s32 s2, s17  }
0x8e: {  	[smem:$0x3FBF] =	sst s2  }
0x8f: {  	_ = 	snop  }
0x90: {  	s18 =	sld [smem:$0x3FD0];
	(tm) =	ssettm $0x1  }
0x91: {  	s19 =	sld [smem:$0x3FFB];
	_ =	sdelay $0x3  }
0x92: {  	_ =	strace s19  }
0x93: {  	s2 =	sld [smem:$0x3FFC];
	_ =	sdelay $0x3  }
0x94: {  	_ =	strace s2  }
0x95: {  	s2 =	sld [smem:$0x3FFD];
	_ =	sdelay $0x3  }
0x96: {  	_ =	strace s2  }
0x97: {  	_ =	strace $0x8FFFFFFF  }
0x98: {  	s20 =	sld [smem:$0x3FDB];
	_ =	sdelay $0x1  }
0x99: {  	s4 =	simm.s32 $_scs_section_size  }
0x9a: {  	s5 =	simm.s32 $_size__tile_overlayer_lowered;
	s6 =	simm.s32 $_tile_overlayer_lowered  }
0x9b: {  	s7 =	simm.s32 $0x1BFF;
	s21 =	sshll.u32 s6, $0x1;
	s4 =	sadd.s32 s4, s20  }
0x9c: {  	s22 =	simm.s32 $0x0;
	s5 =	sshll.u32 s5, $0x1;
	s6 =	sadd.s32 s21, s4  }
0x9d: {  	[timem:s22], [sflag:s7] =	dma.local [hbm:s6], s5  }
0x9e: {  	_ =	swait.ge [sflag:s7], s5  }
0x9f: {  	s5 =	ssub.s32 $0x0, s5;
	[sflag:s7] =	ssyncset.done $0x0  }
0xa0: {  	[sflag:s7] =	ssyncadd.s32 s5;
	_ =	sdelay $0x1  }
0xa1: {  	s23 =	simm.s32 $0x1B8B  }
0xa2: {  	_ =	swait.ge [sflag:s23], $0x1  }
0xa3: {  	[sflag:s23] =	ssyncset.done $0x0  }
0xa4: {  	[sflag:s23] =	ssyncadd.s32 $0xFFFFFFFF  }
0xa5: {  	s5 =	sld [smem:$0x0]  }
0xa6: {  	s6 =	sand.u32 $0xFFFFFFFE, s1  }
0xa7: {  	p0 =	sne.s32 s1, s6  }
0xa8: {  	s6 =	sshll.u32 @p0 s6, $0xE  }
0xa9: {  	s6 =	sadd.s32 @p0 $0x11B8D, s6;
	s7 =	sshll.u32 @p0 s5, $0x11  }
0xaa: {  	s6 =	sor.u32 @p0 s7, s6  }
0xab: {  	[sflag:s6] =	ssyncadd.remote.s32 @p0 $0x1;
	_ =	sdelay $0x1  }
0xac: {  	s6 =	simm.s32 @p0 $0x1B8D  }
0xad: {  	_ =	swait.eq @p0 [sflag:s6], $0x1  }
0xae: {  	[sflag:s6] =	ssyncadd.s32 @p0 $0xFFFFFFFF  }
0xaf: {  	s7 =	sshll.u32 @!p0 s1, $0xE  }
0xb0: {  	s7 =	sor.u32 @!p0 $0x4000, s7;
	s6 =	simm.s32 @!p0 $0x1B8D  }
0xb1: {  	s5 =	sshll.u32 @!p0 s5, $0x11;
	s7 =	sadd.s32 @!p0 $0x11B8D, s7;
	_ =	swait.eq @!p0 [sflag:s6], $0x1  }
0xb2: {  	s5 =	sor.u32 @!p0 s5, s7;
	[sflag:s6] =	ssyncadd.s32 @!p0 $0xFFFFFFFF  }
0xb3: {  	s25 =	simm.s32 $0x1B8E;
	s24 =	sld [smem:$0x3FFE];
	[sflag:s5] =	ssyncadd.remote.s32 @!p0 $0x1  }
0xb4: {  	s26 =	simm.s32 $execute0_lowered;
	[smem:$0x3FD2] =	sst s25  }
0xb5: {  	s6 =	sshll.u32 s26, $0x1;
	_ =	strace $0x80000049;
	[dreg:$0x1] =	wrdreg $0xFFFFFFFF  }
0xb6: {  	s28 =	simm.s32 $_size_execute0_lowered;
	s4 =	sadd.s32 s4, s6;
	[dreg:$0x0] =	wrdreg $0x0  }
0xb7: {  	s6 =	sshll.u32 s28, $0x1;
	[dreg:$0x2] =	wrdreg s4  }
0xb8: {  	[dreg:$0x3] =	wrdreg s6  }
0xb9: {  	[dreg:$0x4] =	wrdreg $0xC0  }
0xba: {  	_ =	task [dreg:s22], $0x5FFFF  }
0xbb: {  	[dreg:$0x1] =	wrdreg $0xFFFFFFFF  }
0xbc: {  	[dreg:$0x0] =	wrdreg $0x60  }
0xbd: {  	[dreg:$0x2] =	wrdreg s24  }
0xbe: {  	[dreg:$0x3] =	wrdreg s18  }
0xbf: {  	[dreg:$0x4] =	wrdreg $0x90000  }
0xc0: {  	[dreg:$0x5] =	wrdreg $0x9  }
0xc1: {  	_ =	task.clear_ibuf [dreg:s22], $0x6FFFF;
	_ =	strace $0x90000049  }
0xc2: {  	s29 =	simm.s32 $0x9;
	_ =	strace $0x8000004B  }
0xc3: {  	_ =	swait.ge [sflag:s29], $0x1  }
0xc4: {  	[sflag:s29] =	ssyncadd.s32 $0xFFFFFFFF  }
0xc5: {  	_ =	strace $0x9000004B  }
0xc6: {  	_ =	sfence  }
0xc7: {  	s30 =	sld [smem:$0x0];
	_ =	sdelay $0x2  }
0xc8: {  	s31 =	sshll.u32 s1, $0xD;
	s1 =	sshrl.u32 s1, $0x2  }
0xc9: {  	s4 =	sand.u32 $0x4000, s31;
	s1 =	sadd.s32 s1, s30  }
0xca: {  	s0 =	sor.u32 s4, s0;
	s1 =	sshll.u32 s1, $0x11  }
0xcb: {  	s0 =	sor.u32 s1, s0  }
0xcc: {  	s0 =	sadd.s32 $0x8F2B, s0  }
0xcd: {  	[sflag:s0] =	ssyncadd.remote.s32 $0x1  }
0xce: {  	_ =	sfence.sel $0xFFFF  }
0xcf: {  	[dreg:$0x0] =	wrdreg $0xFFFFFFFF;
	(pc) =	sbr.abs _section_cstart, $3  }
0xd0: {  	[dreg:$0x1] =	wrdreg $0xFFFFFFFF  }
0xd1: {  	_ =	task.clear_ibuf [dreg:s22], $0x2FFFF;
	_ =	strace $0x9FFFFFFF  }
0xd2: {  	(tm) =	ssettm $0x7FFFFFFF  }
0xd3: {  	_ =	shalt  }
tec
execute0_lowered:
.L_overlay_start_1:
0x0: {  	(tag) =	ssettag $0x1  }
0x1: {  	s0 =	srdreg.scid;
	s6 =	rddreg [dreg:$0x0]  }
0x2: {  	s2 =	rddreg [dreg:$0x1];
	s5 =	sand.u32 $0x1, s0  }
0x3: {  	s0 =	stileid.u32;
	s8 =	smul.u32 $0x14000, s5  }
0x4: {  	s3 =	rddreg [dreg:$0x2];
	s9 =	smul.u32 $0x1400, s0  }
0x5: {  	s4 =	simm.s32 $0x0;
	s13 =	simm.s32 $0x80;
	s10 =	smul.u32 $0x1480, s0  }
0x6: {  	s15 =	simm.s32 $0x0;
	[smem:$0x7FF] =	sst s4;
	s26 =	smul.u32 $0x29000, s0  }
0x7: {  	s1 =	sshll.u32 s5, $0x4;
	s5 =	ssub.s32 $0x2, s5;
	s30 =	smul.u32 $0x28000, s0  }
0x8: {  	s31 =	sshll.u32 s0, $0x6;
	s1 =	sor.u32 s0, s1;
	s28 =	sshrl.u32 s5, $0x1  }
0x9: {  	s7 =	smul.u32 $0xA00, s1;
	s1 =	rddreg [dreg:$0x3];
	_ =	strace $0x8000004A  }
0xa: {  	s8 =	sadd.s32 s9, s8;
	s10 =	sadd.s32 s10, s6;
	s11 =	ssub.s32 s5, s28  }
0xb: {  	s29 =	sshrl.u32 s26, $0x2;
	s9 =	sshrl.u32 s30, $0x2;
	s8 =	sadd.s32 s8, s6  }
0xc: {  	s12 =	sadd.s32 s29, s3;
	s5 =	sadd.s32 $0x48E00, s10;
	s14 =	sadd.s32 s9, s3  }
0xd: {  	s9 =	smax.u32 s11, $0x1;
	s11 =	simm.s32 $0x1;
	s7 =	sadd.s32 s7, s6  }
0xe: {  	s6 =	sor.u32 $0x1C01, s31;
	s8 =	sadd.s32 $0x85600, s8;
	s10 =	sshrl.u32 s12, $0x3  }
0xf: {  	s12 =	simm.s32 $0x5000;
	s14 =	sshrl.u32 s14, $0x3;
	s7 =	sadd.s32 $0xCE00, s7  }
.LBB2_1:
0x10: {  	[spmem:s10], [sflag:s6] =	dma.local [hbm:s5], $0x1480  }
0x11: {  	_ =	swait.ge [sflag:s11], $0x1480  }
0x12: {  	[sflag:s11] =	ssyncset.done $0x0  }
0x13: {  	[sflag:s11] =	ssyncadd.s32 $0xFFFFEB80  }
0x14: {  	[tilespmem:s4], [sflag:$0x1] =	stream.linear.gather [hbm4b:s7+s4], $0x5000, $0x38;
	[tilespmem:$0x13400] =	vst v63  }
0x15: {  	_ =	swait.ge [sflag:s11], $0x5000  }
0x16: {  	[sflag:s11] =	ssyncset.done $0x0  }
0x17: {  	[sflag:s11] =	ssyncadd.s32 $0xFFFFB000  }
0x18: {  	[tilespmem:s12], [sflag:$0x1] =	stream.linear.gather [hbm4b:s2+s4], $0x4000, $0x38;
	[tilespmem:$0x13400] =	vst v63  }
0x19: {  	_ =	swait.ge [sflag:s11], $0x4000  }
0x1a: {  	[sflag:s11] =	ssyncset.done $0x0  }
0x1b: {  	[sflag:s11] =	ssyncadd.s32 $0xFFFFC000  }
0x1c: {  	s16 =	simm.s32 $0x0;
	[bflag:$0x0] =	sbarrier.arrive $0xFFFF  }
0x1d: {  	[spmem:s3] =	stream.indirect.scatter.add.f32 [tilespmem:s12], [sflag:$0x1], $0x80, s16, s13, $0xb8;
	[tilespmem:$0x13400] =	vst v63  }
0x1e: {  	_ =	swait.ge [sflag:s11], $0x4000  }
0x1f: {  	s16 =	simm.s32 $0x200;
	[sflag:s11] =	ssyncset.done $0x0  }
.LBB2_2:
0x20: {  	s17 =	sshra.s32 s16, $0x2;
	[sflag:s11] =	ssyncadd.s32 $0xFFFFC000;
	p0 =	sne.s32 s16, $0x13E00  }
0x21: {  	[spmem:s3] =	stream.indirect.scatter.add.f32 [tilespmem:s12], [sflag:$0x1], $0x80, s17, s13, $0xb8;
	[tilespmem:$0x13400] =	vst v63  }
.Ltmp0:
0x22: {  	_ = 	snop;
	(pc) =	sbr.rel @p0 .LBB2_2-.Ltmp0, $4  }
0x23: {  	_ = 	snop  }
0x24: {  	s16 =	sadd.s32 $0x200, s16  }
0x25: {  	_ =	swait.ge [sflag:s11], $0x4000  }
0x26: {  	[sflag:s11] =	ssyncset.done $0x0  }
0x27: {  	s15 =	sadd.s32 $0x1, s15  }
0x28: {  	[sflag:s11] =	ssyncadd.s32 $0xFFFFC000;
	p0 =	sne.s32 s15, s9  }
.Ltmp1:
0x29: {  	[bflag:$0x0] =	sbarrier.arrive $0xFFFF;
	(pc) =	sbr.rel @p0 .LBB2_1-.Ltmp1, $4  }
0x2a: {  	[hbm:s8], [sflag:s6] =	dma.local [spmem:s14], $0x1400  }
0x2b: {  	_ =	swait.ge [sflag:s11], $0x1400  }
0x2c: {  	[sflag:s11] =	ssyncset.done $0x0  }
0x2d: {  	[sflag:s11] =	ssyncadd.s32 $0xFFFFEC00  }
0x2e: {  	_ =	sfence.sel $0x180000  }
0x2f: {  	[bflag:$0x0] =	sbarrier.arrive $0xFFFF  }
0x30: {  	p0 =	sne.s32 s0, $0x0;
	_ =	strace $0x9000004A  }
0x31: {  	s0 =	sadd.s32 @!p0 $0x100000, s1;
	[bflag:$0x2] =	sbarrier.arrive $0xFFFF  }
0x32: {  	[sflag:s0] =	ssyncadd.tile.s32 @!p0 $0x1;
	_ =	shalt  }
.Lfunc_end2:
_tile_overlayer_lowered:
.L_overlay_start_2:
0x33: {  	(tag) =	ssettag $0x2  }
0x34: {  	s0 =	rddreg [dreg:$0x0];
	s2 =	stileid.u32  }
0x35: {  	s1 =	rddreg [dreg:$0x1];
	p0 =	sne.s32 s2, $0x0  }
0x36: {  	s3 =	rddreg [dreg:$0x2];
	[bflag:$0x3] =	sbarrier.arrive $0xFFFF;
	s2 =	simm.s32 @!p0 $0x1C01  }
0x37: {  	[timem:s3], [sflag:s2] =	dma.local @!p0 [hbm:s0], s1  }
0x38: {  	s0 =	simm.s32 @!p0 $0x1  }
0x39: {  	_ =	swait.ge @!p0 [sflag:s0], s1  }
0x3a: {  	s1 =	ssub.s32 @!p0 $0x0, s1;
	[sflag:s0] =	ssyncset.done @!p0 $0x0  }
0x3b: {  	[sflag:s0] =	ssyncadd.s32 @!p0 s1  }
0x3c: {  	[bflag:$0x3] =	sbarrier.arrive $0xFFFF  }
0x3d: {  	_ =	shalt  }

// kernel: kernel.13.cloned.1.call-start
scs
__scs_entry_jumppad:
0x0: {  	(pc) =	sbr.rel $0x88, $3  }
0x1: {  	(tag) =	ssettag $0x0;
	lr =	simm.s32 $0x1  }
0x2: {  	[smem:$0x3F98] =	sst lr;
	_ =	strace $0xD0000000  }
0x3: {  	_ = 	snop  }
0x4: {  	_ = 	snop  }
0x5: {  	_ = 	snop  }
0x6: {  	_ = 	snop  }
0x7: {  	_ = 	snop  }
__scs_overlays_trampoline_lowered:
0x8: {  	[smem:$0x3FA7] =	sst s0  }
0x9: {  	[smem:$0x3FA8] =	sst s1  }
0xa: {  	[smem:$0x3FA9] =	sst s2  }
0xb: {  	[smem:$0x3FAA] =	sst s3  }
0xc: {  	[smem:$0x3FAB] =	sst s4  }
0xd: {  	[smem:$0x3FAC] =	sst s5  }
0xe: {  	[smem:$0x3FAD] =	sst s6  }
0xf: {  	[smem:$0x3FAE] =	sst s7  }
0x10: {  	[smem:$0x3FAF] =	sst s8  }
0x11: {  	[smem:$0x3FB0] =	sst s9;
	s0 =	simm.s32 @!p0 $0x0  }
0x12: {  	s1 =	sld [smem:$0x3F96];
	s0 =	simm.s32 @p0 $0x1  }
0x13: {  	[smem:$0x3FB1] =	sst s0;
	s0 =	simm.s32 @!p1 $0x0  }
0x14: {  	s2 =	sld [smem:$0x3F95];
	s0 =	simm.s32 @p1 $0x1  }
0x15: {  	[smem:$0x3FB2] =	sst s0;
	s0 =	simm.s32 @!p2 $0x0  }
0x16: {  	s3 =	sld [smem:$0x3FDB];
	s0 =	simm.s32 @p2 $0x1  }
0x17: {  	s4 =	simm.s32 $0x1BF5;
	[smem:$0x3FB4] =	sst s0  }
0x18: {  	s0 =	sld [smem:$0x3F97];
	_ =	swait.ge [sflag:s4], $0x0  }
0x19: {  	s7 =	sld [smem:$0x3F98]  }
0x1a: {  	s8 =	sadd.s32 $0xFFFFE003, lr  }
0x1b: {  	s9 =	sadd.s32 $0xFFFFFEF7, lr;
	s5 =	simm.s32 $0xFFFFFFFF;
	p2 =	slt.u32 s8, $0xFFFFF086  }
0x1c: {  	p1 =	slt.u32 s9, $0xF7A;
	s5 =	simm.s32 @!p2 $0x0  }
0x1d: {  	s5 =	simm.s32 @p1 $0x1;
	p0 =	seq.s32 s7, s2  }
0x1e: {  	s7 =	smul.u32 @!p0 $0xF7A, s2;
	p2 =	seq.s32 @!p0 s5, $0x0  }
0x1f: {  	s9 =	smul.u32 $0xF7A, s1;
	s8 =	simm.s32 @!p0 $0x1BF5;
	p2 =	por !p2, p0  }
0x20: {  	[sflag:s8] =	ssyncset.s32 @!p0 $0xFFFFF086;
	s6 =	sadd.s32 @!p0 s3, s7;
	s7 =	simm.s32 @!p0 $0x108  }
0x21: {  	s3 =	sadd.s32 s3, s9;
	s6 =	sadd.s32 @!p0 $0x88, s6;
	s7 =	simm.s32 @p2 $0x1082  }
0x22: {  	[simem:s7], [sflag:s8] =	dma.local @!p0 [hbm:s6], $0xF7A  }
0x23: {  	s9 =	sor.u32 $0xD0000000, s2;
	s6 =	simm.s32 $0x108;
	_ =	swait.ge @!p0 [sflag:s8], $0x0  }
0x24: {  	s3 =	sadd.s32 $0x88, s3;
	s6 =	simm.s32 @!p1 $0x1082;
	[sflag:s4] =	ssyncset.s32 $0xFFFFF086  }
0x25: {  	[simem:s6], [sflag:s4] =	dma.local [hbm:s3], $0xF7A  }
0x26: {  	[smem:$0x3F98] =	sst s1;
	(tag) =	ssettag s2;
	_ =	strace s9  }
0x27: {  	s1 =	sld [smem:$0x3FA8]  }
0x28: {  	s2 =	sld [smem:$0x3FA9]  }
0x29: {  	s4 =	sld [smem:$0x3FAB]  }
0x2a: {  	p0 =	seq.s32 s5, $0x0;
	s5 =	sld [smem:$0x3FAC]  }
0x2b: {  	s6 =	sld [smem:$0x3FAD]  }
0x2c: {  	s7 =	sld [smem:$0x3FAE]  }
0x2d: {  	s3 =	simm.s32 $0x108;
	s8 =	sld [smem:$0x3FAF]  }
0x2e: {  	s3 =	simm.s32 @!p0 $0x1082;
	s9 =	sld [smem:$0x3FB0]  }
0x2f: {  	lr =	sadd.s32 s0, s3;
	s0 =	sld [smem:$0x3FA7]  }
0x30: {  	s3 =	sld [smem:$0x3FAA]  }
0x31: {  	[smem:$0x3FB3] =	sst s10  }
0x32: {  	s10 =	sld [smem:$0x3FB1];
	_ =	sdelay $0x3  }
0x33: {  	p0 =	seq.s32 s10, $0x1;
	s10 =	sld [smem:$0x3FB3];
	_ =	sdelay $0x3  }
0x34: {  	[smem:$0x3FB3] =	sst s10  }
0x35: {  	s10 =	sld [smem:$0x3FB2];
	_ =	sdelay $0x3  }
0x36: {  	p1 =	seq.s32 s10, $0x1;
	s10 =	sld [smem:$0x3FB3];
	_ =	sdelay $0x3  }
0x37: {  	[smem:$0x3FB3] =	sst s10  }
0x38: {  	s10 =	sld [smem:$0x3FB4]  }
0x39: {  	_ = 	snop;
	(pc) =	sbr.ind lr, $3  }
0x3a: {  	_ = 	snop  }
0x3b: {  	_ = 	snop  }
0x3c: {  	p2 =	seq.s32 s10, $0x1;
	s10 =	sld [smem:$0x3FB3]  }
0x3d: {  	_ =	shalt  }
0x3e: {  	_ =	shalt  }
0x3f: {  	_ =	shalt  }
0x40: {  	_ =	shalt  }
0x41: {  	_ =	shalt  }
0x42: {  	_ =	shalt  }
0x43: {  	_ =	shalt  }
0x44: {  	_ =	shalt  }
0x45: {  	_ =	shalt  }
0x46: {  	_ =	shalt  }
0x47: {  	_ =	shalt  }
0x48: {  	_ =	shalt  }
0x49: {  	_ =	shalt  }
0x4a: {  	_ =	shalt  }
0x4b: {  	_ =	shalt  }
0x4c: {  	_ =	shalt  }
0x4d: {  	_ =	shalt  }
0x4e: {  	_ =	shalt  }
0x4f: {  	_ =	shalt  }
0x50: {  	_ =	shalt  }
0x51: {  	_ =	shalt  }
0x52: {  	_ =	shalt  }
0x53: {  	_ =	shalt  }
0x54: {  	_ =	shalt  }
0x55: {  	_ =	shalt  }
0x56: {  	_ =	shalt  }
0x57: {  	_ =	shalt  }
0x58: {  	_ =	shalt  }
0x59: {  	_ =	shalt  }
0x5a: {  	_ =	shalt  }
0x5b: {  	_ =	shalt  }
0x5c: {  	_ =	shalt  }
0x5d: {  	_ =	shalt  }
0x5e: {  	_ =	shalt  }
0x5f: {  	_ =	shalt  }
0x60: {  	_ =	shalt  }
0x61: {  	_ =	shalt  }
0x62: {  	_ =	shalt  }
0x63: {  	_ =	shalt  }
0x64: {  	_ =	shalt  }
0x65: {  	_ =	shalt  }
0x66: {  	_ =	shalt  }
0x67: {  	_ =	shalt  }
0x68: {  	_ =	shalt  }
0x69: {  	_ =	shalt  }
0x6a: {  	_ =	shalt  }
0x6b: {  	_ =	shalt  }
0x6c: {  	_ =	shalt  }
0x6d: {  	_ =	shalt  }
0x6e: {  	_ =	shalt  }
0x6f: {  	_ =	shalt  }
0x70: {  	_ =	shalt  }
0x71: {  	_ =	shalt  }
0x72: {  	_ =	shalt  }
0x73: {  	_ =	shalt  }
0x74: {  	_ =	shalt  }
0x75: {  	_ =	shalt  }
0x76: {  	_ =	shalt  }
0x77: {  	_ =	shalt  }
0x78: {  	_ =	shalt  }
0x79: {  	_ =	shalt  }
0x7a: {  	_ =	shalt  }
0x7b: {  	_ =	shalt  }
0x7c: {  	_ =	shalt  }
0x7d: {  	_ =	shalt  }
0x7e: {  	_ =	shalt  }
0x7f: {  	_ =	shalt  }
0x80: {  	_ =	shalt  }
0x81: {  	_ =	shalt  }
0x82: {  	_ =	shalt  }
0x83: {  	_ =	shalt  }
0x84: {  	_ =	shalt  }
0x85: {  	_ =	shalt  }
0x86: {  	_ =	shalt  }
0x87: {  	_ =	shalt  }
.Lfunc_end0:
.L_simem_size_0:
called_computation.1_lowered:
.L_overlay_start_0:
0x88: {  	s2 =	sld [smem:$0x3FD9]  }
0x89: {  	s3 =	sld [smem:$0x3FFE];
	_ =	sdelay $0x1  }
0x8a: {  	s1 =	srdreg.scid  }
0x8b: {  	s0 =	sand.u32 $0x1, s1  }
0x8c: {  	s16 =	sshll.u32 s0, $0xA;
	s2 =	sadd.s32 s3, s2  }
0x8d: {  	s2 =	sadd.s32 s2, s16  }
0x8e: {  	[smem:$0x3FBF] =	sst s2  }
0x8f: {  	_ = 	snop  }
0x90: {  	(tm) =	ssettm $0x1  }
0x91: {  	s17 =	sld [smem:$0x3FFB];
	_ =	sdelay $0x3  }
0x92: {  	_ =	strace s17  }
0x93: {  	s2 =	sld [smem:$0x3FFC];
	_ =	sdelay $0x3  }
0x94: {  	_ =	strace s2  }
0x95: {  	s2 =	sld [smem:$0x3FFD];
	_ =	sdelay $0x3  }
0x96: {  	_ =	strace s2  }
0x97: {  	_ =	strace $0x8FFFFFFF  }
0x98: {  	s18 =	sld [smem:$0x3FDB];
	_ =	sdelay $0x1  }
0x99: {  	s19 =	simm.s32 $_scs_section_size  }
0x9a: {  	s4 =	simm.s32 $_size__tile_overlayer_lowered;
	s5 =	simm.s32 $_tile_overlayer_lowered  }
0x9b: {  	s22 =	simm.s32 $0x1BFF;
	s21 =	sshll.u32 s5, $0x1;
	s2 =	sadd.s32 s19, s18  }
0x9c: {  	s6 =	simm.s32 $0x0;
	s20 =	sshll.u32 s4, $0x1;
	s4 =	sadd.s32 s21, s2  }
0x9d: {  	[timem:s6], [sflag:s22] =	dma.local [hbm:s4], s20  }
0x9e: {  	_ =	swait.ge [sflag:s22], s20  }
0x9f: {  	s3 =	ssub.s32 $0x0, s20;
	[sflag:s22] =	ssyncset.done $0x0  }
0xa0: {  	[sflag:s22] =	ssyncadd.s32 s3;
	_ =	sdelay $0x1  }
0xa1: {  	s23 =	simm.s32 $0x1B8B  }
0xa2: {  	_ =	swait.ge [sflag:s23], $0x1  }
0xa3: {  	[sflag:s23] =	ssyncset.done $0x0  }
0xa4: {  	s25 =	simm.s32 $0x1B8E;
	s24 =	sld [smem:$0x3FFE];
	[sflag:s23] =	ssyncadd.s32 $0xFFFFFFFF  }
0xa5: {  	s26 =	simm.s32 $execute0_lowered;
	[smem:$0x3FD2] =	sst s25  }
0xa6: {  	s4 =	sshll.u32 s26, $0x1;
	_ =	strace $0x80000046;
	[dreg:$0x1] =	wrdreg $0xFFFFFFFF  }
0xa7: {  	s28 =	simm.s32 $_size_execute0_lowered;
	s2 =	sadd.s32 s2, s4;
	[dreg:$0x0] =	wrdreg $0x0  }
0xa8: {  	s4 =	sshll.u32 s28, $0x1;
	[dreg:$0x2] =	wrdreg s2  }
0xa9: {  	[dreg:$0x3] =	wrdreg s4  }
0xaa: {  	[dreg:$0x4] =	wrdreg $0xC0  }
0xab: {  	_ =	task [dreg:s6], $0x5FFFF  }
0xac: {  	[dreg:$0x1] =	wrdreg $0xFFFFFFFF  }
0xad: {  	[dreg:$0x0] =	wrdreg $0x60  }
0xae: {  	[dreg:$0x2] =	wrdreg s24  }
0xaf: {  	[dreg:$0x3] =	wrdreg $0x120000  }
0xb0: {  	[dreg:$0x4] =	wrdreg $0xA  }
0xb1: {  	_ =	task.clear_ibuf [dreg:s6], $0x5FFFF;
	_ =	strace $0x90000046  }
0xb2: {  	s29 =	simm.s32 $0xA;
	_ =	strace $0x80000048  }
0xb3: {  	_ =	swait.ge [sflag:s29], $0x1  }
0xb4: {  	[sflag:s29] =	ssyncadd.s32 $0xFFFFFFFF  }
0xb5: {  	_ =	strace $0x90000048  }
0xb6: {  	_ =	sfence  }
0xb7: {  	s30 =	sld [smem:$0x0];
	_ =	sdelay $0x2  }
0xb8: {  	s31 =	sshll.u32 s1, $0xD;
	s1 =	sshrl.u32 s1, $0x2  }
0xb9: {  	s3 =	sand.u32 $0x4000, s31;
	s1 =	sadd.s32 s1, s30  }
0xba: {  	s0 =	sor.u32 s3, s0;
	s1 =	sshll.u32 s1, $0x11  }
0xbb: {  	s0 =	sor.u32 s1, s0  }
0xbc: {  	s0 =	sadd.s32 $0x8F2B, s0  }
0xbd: {  	[sflag:s0] =	ssyncadd.remote.s32 $0x1  }
0xbe: {  	_ =	sfence.sel $0xFFFF  }
0xbf: {  	[dreg:$0x0] =	wrdreg $0xFFFFFFFF;
	(pc) =	sbr.abs _section_cstart, $3  }
0xc0: {  	[dreg:$0x1] =	wrdreg $0xFFFFFFFF  }
0xc1: {  	_ =	task.clear_ibuf [dreg:s6], $0x2FFFF;
	_ =	strace $0x9FFFFFFF  }
0xc2: {  	(tm) =	ssettm $0x7FFFFFFF  }
0xc3: {  	_ =	shalt  }
tec
execute0_lowered:
.L_overlay_start_1:
0x0: {  	(tag) =	ssettag $0x1  }
0x1: {  	s0 =	srdreg.scid  }
0x2: {  	s5 =	sand.u32 $0x1, s0;
	s0 =	stileid.u32  }
0x3: {  	s7 =	smul.u32 $0xA00, s0  }
0x4: {  	s6 =	rddreg [dreg:$0x0];
	s9 =	smul.u32 $0x14000, s5  }
0x5: {  	s2 =	rddreg [dreg:$0x1];
	s3 =	simm.s32 $0x0;
	s10 =	smul.u32 $0x1400, s0  }
0x6: {  	s15 =	simm.s32 $0x1;
	s17 =	simm.s32 $0x0;
	s11 =	smul.u32 $0x1480, s0  }
0x7: {  	[smem:$0x7FF] =	sst s3;
	s1 =	sshll.u32 s5, $0x4;
	s28 =	smul.u32 $0x29000, s0  }
0x8: {  	s5 =	ssub.s32 $0x2, s5;
	s12 =	smul.u32 $0x28000, s0;
	s30 =	sshll.u32 s0, $0x6  }
0x9: {  	s4 =	sor.u32 s0, s1;
	s1 =	rddreg [dreg:$0x2];
	_ =	strace $0x80000047  }
0xa: {  	s29 =	sshrl.u32 s5, $0x1;
	s8 =	smul.u32 $0xA00, s4;
	s4 =	sadd.s32 $0x20E00, s6  }
0xb: {  	s7 =	sadd.s32 s7, s6;
	s9 =	sadd.s32 s10, s9;
	s11 =	sadd.s32 s11, s6  }
0xc: {  	s10 =	sshrl.u32 s28, $0x2;
	s13 =	ssub.s32 s5, s29;
	s31 =	sshrl.u32 s12, $0x2  }
0xd: {  	s12 =	simm.s32 $0x2;
	s9 =	sadd.s32 s9, s6;
	s14 =	sadd.s32 s10, s2  }
0xe: {  	s5 =	sadd.s32 $0x48E00, s11;
	s7 =	sadd.s32 $0x2E00, s7;
	s16 =	sadd.s32 s31, s2  }
0xf: {  	s10 =	smax.u32 s13, $0x1;
	s13 =	simm.s32 $0x80;
	s8 =	sadd.s32 s8, s6  }
0x10: {  	s6 =	sor.u32 $0x1C02, s30;
	s9 =	sadd.s32 $0x5D600, s9;
	s11 =	sshrl.u32 s14, $0x3  }
0x11: {  	s14 =	simm.s32 $0xA000;
	s16 =	sshrl.u32 s16, $0x3;
	s8 =	sadd.s32 $0xCE00, s8  }
.LBB2_1:
0x12: {  	[spmem:s11], [sflag:s6] =	dma.local [hbm:s5], $0x1480  }
0x13: {  	_ =	swait.ge [sflag:s12], $0x1480  }
0x14: {  	[sflag:s12] =	ssyncset.done $0x0  }
0x15: {  	[sflag:s12] =	ssyncadd.s32 $0xFFFFEB80  }
0x16: {  	[tilespmem:s3], [sflag:$0x2] =	stream.linear.gather [hbm4b:s7+s3], $0x5000, $0x38;
	[tilespmem:$0x1C400] =	vst v63  }
0x17: {  	_ =	swait.ge [sflag:s12], $0x5000  }
0x18: {  	[sflag:s12] =	ssyncset.done $0x0  }
0x19: {  	s19 =	simm.s32 $0x5000;
	[sflag:s12] =	ssyncadd.s32 $0xFFFFB000  }
0x1a: {  	[tilespmem:s19], [sflag:$0x2] =	stream.linear.gather [hbm4b:s8+s3], $0x5000, $0x38;
	[tilespmem:$0x1C400] =	vst v63  }
0x1b: {  	_ =	swait.ge [sflag:s12], $0x5000  }
0x1c: {  	[sflag:s12] =	ssyncset.done $0x0  }
0x1d: {  	s18 =	simm.s32 $0x4000;
	[sflag:s12] =	ssyncadd.s32 $0xFFFFB000  }
0x1e: {  	s21 =	smin.u32 s15, $0x9F;
	s20 =	sand.u32 $0x4000, s18;
	[bflag:$0x0] =	sbarrier.arrive $0xFFFF  }
0x1f: {  	[tilespmem:s14], [sflag:$0x1] =	stream.indirect.gather [hbm4b:s4+s13], $0x80, s3, s13, $0xb8;
	[tilespmem:$0x1C400] =	vst v63  }
0x20: {  	s21 =	sshll.u32 s21, $0x7;
	s20 =	sor.u32 $0xA000, s20  }
0x21: {  	[tilespmem:s20], [sflag:$0x1] =	stream.indirect.gather [hbm4b:s4+s13], $0x80, s21, s13, $0xb8;
	[tilespmem:$0x1C400] =	vst v63  }
0x22: {  	_ =	swait.ge [sflag:s15], $0x4000  }
0x23: {  	s22 =	simm.s32 $0x8000;
	s30 =	sand.u32 $0x4000, s3;
	[sflag:s15] =	ssyncset.done $0x0  }
0x24: {  	s31 =	sand.u32 $0x4000, s22;
	s20 =	sor.u32 $0xA000, s30;
	[sflag:s15] =	ssyncadd.s32 $0xFFFFC000  }
0x25: {  	[spmem:s2] =	stream.indirect.scatter.add.f32 [tilespmem:s20], [sflag:$0x2], $0x80, s19, s13, $0xb8;
	[tilespmem:$0x1C400] =	vst v63  }
0x26: {  	s21 =	sor.u32 $0xA000, s31;
	s20 =	simm.s32 $0x2;
	_ =	swait.ge [sflag:s12], $0x4000  }
0x27: {  	s19 =	simm.s32 $0x5080;
	s23 =	smin.u32 s20, $0x9F;
	[sflag:s12] =	ssyncset.done $0x0  }
.LBB2_2:
0x28: {  	s23 =	sshll.u32 s23, $0x7;
	[sflag:s12] =	ssyncadd.s32 $0xFFFFC000  }
0x29: {  	s24 =	smov.u32 s22;
	s25 =	sadd.s32 $0x4000, s22;
	s18 =	sand.u32 $0x4000, s18  }
0x2a: {  	[tilespmem:s21], [sflag:$0x1] =	stream.indirect.gather [hbm4b:s4+s13], $0x80, s23, s13, $0xb8;
	[tilespmem:$0x1C400] =	vst v63  }
0x2b: {  	p0 =	sne.s32 s22, $0x27C000;
	s21 =	sand.u32 $0x4000, s25;
	_ =	swait.ge [sflag:s15], $0x4000  }
.Ltmp0:
0x2c: {  	s21 =	sor.u32 $0xA000, s21;
	[sflag:s15] =	ssyncset.done $0x0;
	(pc) =	sbr.rel @p0 .LBB2_2-.Ltmp0, $4  }
0x2d: {  	s20 =	sadd.s32 $0x1, s20;
	s18 =	sor.u32 $0xA000, s18;
	[sflag:s15] =	ssyncadd.s32 $0xFFFFC000  }
0x2e: {  	[spmem:s2] =	stream.indirect.scatter.add.f32 [tilespmem:s18], [sflag:$0x2], $0x80, s19, s13, $0xb8;
	[tilespmem:$0x1C400] =	vst v63  }
0x2f: {  	s23 =	smin.u32 s20, $0x9F;
	s18 =	smov.u32 s24;
	_ =	swait.ge [sflag:s12], $0x4000  }
0x30: {  	s22 =	smov.u32 s25;
	s19 =	sadd.s32 $0x80, s19;
	[sflag:s12] =	ssyncset.done $0x0  }
0x31: {  	s20 =	sshll.u32 s23, $0x7;
	[sflag:s12] =	ssyncadd.s32 $0xFFFFC000  }
0x32: {  	[tilespmem:s21], [sflag:$0x1] =	stream.indirect.gather [hbm4b:s4+s13], $0x80, s20, s13, $0xb8;
	[tilespmem:$0x1C400] =	vst v63  }
0x33: {  	_ =	swait.ge [sflag:s15], $0x4000  }
0x34: {  	s18 =	sand.u32 $0x4000, s18;
	[sflag:s15] =	ssyncset.done $0x0  }
0x35: {  	s18 =	sor.u32 $0xA000, s18;
	[sflag:s15] =	ssyncadd.s32 $0xFFFFC000  }
0x36: {  	[spmem:s2] =	stream.indirect.scatter.add.f32 [tilespmem:s18], [sflag:$0x2], $0x80, s19, s13, $0xb8;
	[tilespmem:$0x1C400] =	vst v63  }
0x37: {  	_ =	swait.ge [sflag:s12], $0x4000  }
0x38: {  	[sflag:s12] =	ssyncset.done $0x0  }
0x39: {  	[sflag:s12] =	ssyncadd.s32 $0xFFFFC000  }
0x3a: {  	_ =	swait.ge [sflag:s15], $0x4000  }
0x3b: {  	s17 =	sadd.s32 $0x1, s17;
	[sflag:s15] =	ssyncset.done $0x0  }
0x3c: {  	p0 =	sne.s32 s17, s10;
	[sflag:s15] =	ssyncadd.s32 $0xFFFFC000  }
.Ltmp1:
0x3d: {  	[bflag:$0x0] =	sbarrier.arrive $0xFFFF;
	(pc) =	sbr.rel @p0 .LBB2_1-.Ltmp1, $4  }
0x3e: {  	[hbm:s9], [sflag:s6] =	dma.local [spmem:s16], $0x1400  }
0x3f: {  	_ =	swait.ge [sflag:s12], $0x1400  }
0x40: {  	[sflag:s12] =	ssyncset.done $0x0  }
0x41: {  	[sflag:s12] =	ssyncadd.s32 $0xFFFFEC00  }
0x42: {  	_ =	sfence.sel $0x180000  }
0x43: {  	[bflag:$0x0] =	sbarrier.arrive $0xFFFF  }
0x44: {  	p0 =	sne.s32 s0, $0x0;
	_ =	strace $0x90000047  }
0x45: {  	s0 =	sadd.s32 @!p0 $0x100000, s1;
	[bflag:$0x2] =	sbarrier.arrive $0xFFFF  }
0x46: {  	[sflag:s0] =	ssyncadd.tile.s32 @!p0 $0x1;
	_ =	shalt  }
.Lfunc_end2:
_tile_overlayer_lowered:
.L_overlay_start_2:
0x47: {  	(tag) =	ssettag $0x2  }
0x48: {  	s0 =	rddreg [dreg:$0x0];
	s2 =	stileid.u32  }
0x49: {  	s1 =	rddreg [dreg:$0x1];
	p0 =	sne.s32 s2, $0x0  }
0x4a: {  	s3 =	rddreg [dreg:$0x2];
	[bflag:$0x3] =	sbarrier.arrive $0xFFFF;
	s2 =	simm.s32 @!p0 $0x1C02  }
0x4b: {  	[timem:s3], [sflag:s2] =	dma.local @!p0 [hbm:s0], s1  }
0x4c: {  	s0 =	simm.s32 @!p0 $0x2  }
0x4d: {  	_ =	swait.ge @!p0 [sflag:s0], s1  }
0x4e: {  	s1 =	ssub.s32 @!p0 $0x0, s1;
	[sflag:s0] =	ssyncset.done @!p0 $0x0  }
0x4f: {  	[sflag:s0] =	ssyncadd.s32 @!p0 s1  }
0x50: {  	[bflag:$0x3] =	sbarrier.arrive $0xFFFF  }
0x51: {  	_ =	shalt  }

// kernel: kernel.16.cloned.1.call-start
scs
__scs_entry_jumppad:
0x0: {  	(pc) =	sbr.rel $0x88, $3  }
0x1: {  	(tag) =	ssettag $0x0;
	lr =	simm.s32 $0x1  }
0x2: {  	[smem:$0x3F98] =	sst lr;
	_ =	strace $0xD0000000  }
0x3: {  	_ = 	snop  }
0x4: {  	_ = 	snop  }
0x5: {  	_ = 	snop  }
0x6: {  	_ = 	snop  }
0x7: {  	_ = 	snop  }
__scs_overlays_trampoline_lowered:
0x8: {  	[smem:$0x3FA7] =	sst s0  }
0x9: {  	[smem:$0x3FA8] =	sst s1  }
0xa: {  	[smem:$0x3FA9] =	sst s2  }
0xb: {  	[smem:$0x3FAA] =	sst s3  }
0xc: {  	[smem:$0x3FAB] =	sst s4  }
0xd: {  	[smem:$0x3FAC] =	sst s5  }
0xe: {  	[smem:$0x3FAD] =	sst s6  }
0xf: {  	[smem:$0x3FAE] =	sst s7  }
0x10: {  	[smem:$0x3FAF] =	sst s8  }
0x11: {  	[smem:$0x3FB0] =	sst s9;
	s0 =	simm.s32 @!p0 $0x0  }
0x12: {  	s1 =	sld [smem:$0x3F96];
	s0 =	simm.s32 @p0 $0x1  }
0x13: {  	[smem:$0x3FB1] =	sst s0;
	s0 =	simm.s32 @!p1 $0x0  }
0x14: {  	s2 =	sld [smem:$0x3F95];
	s0 =	simm.s32 @p1 $0x1  }
0x15: {  	[smem:$0x3FB2] =	sst s0;
	s0 =	simm.s32 @!p2 $0x0  }
0x16: {  	s3 =	sld [smem:$0x3FDB];
	s0 =	simm.s32 @p2 $0x1  }
0x17: {  	s4 =	simm.s32 $0x1BF5;
	[smem:$0x3FB4] =	sst s0  }
0x18: {  	s0 =	sld [smem:$0x3F97];
	_ =	swait.ge [sflag:s4], $0x0  }
0x19: {  	s7 =	sld [smem:$0x3F98]  }
0x1a: {  	s8 =	sadd.s32 $0xFFFFE003, lr  }
0x1b: {  	s9 =	sadd.s32 $0xFFFFFEF7, lr;
	s5 =	simm.s32 $0xFFFFFFFF;
	p2 =	slt.u32 s8, $0xFFFFF086  }
0x1c: {  	p1 =	slt.u32 s9, $0xF7A;
	s5 =	simm.s32 @!p2 $0x0  }
0x1d: {  	s5 =	simm.s32 @p1 $0x1;
	p0 =	seq.s32 s7, s2  }
0x1e: {  	s7 =	smul.u32 @!p0 $0xF7A, s2;
	p2 =	seq.s32 @!p0 s5, $0x0  }
0x1f: {  	s9 =	smul.u32 $0xF7A, s1;
	s8 =	simm.s32 @!p0 $0x1BF5;
	p2 =	por !p2, p0  }
0x20: {  	[sflag:s8] =	ssyncset.s32 @!p0 $0xFFFFF086;
	s6 =	sadd.s32 @!p0 s3, s7;
	s7 =	simm.s32 @!p0 $0x108  }
0x21: {  	s3 =	sadd.s32 s3, s9;
	s6 =	sadd.s32 @!p0 $0x88, s6;
	s7 =	simm.s32 @p2 $0x1082  }
0x22: {  	[simem:s7], [sflag:s8] =	dma.local @!p0 [hbm:s6], $0xF7A  }
0x23: {  	s9 =	sor.u32 $0xD0000000, s2;
	s6 =	simm.s32 $0x108;
	_ =	swait.ge @!p0 [sflag:s8], $0x0  }
0x24: {  	s3 =	sadd.s32 $0x88, s3;
	s6 =	simm.s32 @!p1 $0x1082;
	[sflag:s4] =	ssyncset.s32 $0xFFFFF086  }
0x25: {  	[simem:s6], [sflag:s4] =	dma.local [hbm:s3], $0xF7A  }
0x26: {  	[smem:$0x3F98] =	sst s1;
	(tag) =	ssettag s2;
	_ =	strace s9  }
0x27: {  	s1 =	sld [smem:$0x3FA8]  }
0x28: {  	s2 =	sld [smem:$0x3FA9]  }
0x29: {  	s4 =	sld [smem:$0x3FAB]  }
0x2a: {  	p0 =	seq.s32 s5, $0x0;
	s5 =	sld [smem:$0x3FAC]  }
0x2b: {  	s6 =	sld [smem:$0x3FAD]  }
0x2c: {  	s7 =	sld [smem:$0x3FAE]  }
0x2d: {  	s3 =	simm.s32 $0x108;
	s8 =	sld [smem:$0x3FAF]  }
0x2e: {  	s3 =	simm.s32 @!p0 $0x1082;
	s9 =	sld [smem:$0x3FB0]  }
0x2f: {  	lr =	sadd.s32 s0, s3;
	s0 =	sld [smem:$0x3FA7]  }
0x30: {  	s3 =	sld [smem:$0x3FAA]  }
0x31: {  	[smem:$0x3FB3] =	sst s10  }
0x32: {  	s10 =	sld [smem:$0x3FB1];
	_ =	sdelay $0x3  }
0x33: {  	p0 =	seq.s32 s10, $0x1;
	s10 =	sld [smem:$0x3FB3];
	_ =	sdelay $0x3  }
0x34: {  	[smem:$0x3FB3] =	sst s10  }
0x35: {  	s10 =	sld [smem:$0x3FB2];
	_ =	sdelay $0x3  }
0x36: {  	p1 =	seq.s32 s10, $0x1;
	s10 =	sld [smem:$0x3FB3];
	_ =	sdelay $0x3  }
0x37: {  	[smem:$0x3FB3] =	sst s10  }
0x38: {  	s10 =	sld [smem:$0x3FB4]  }
0x39: {  	_ = 	snop;
	(pc) =	sbr.ind lr, $3  }
0x3a: {  	_ = 	snop  }
0x3b: {  	_ = 	snop  }
0x3c: {  	p2 =	seq.s32 s10, $0x1;
	s10 =	sld [smem:$0x3FB3]  }
0x3d: {  	_ =	shalt  }
0x3e: {  	_ =	shalt  }
0x3f: {  	_ =	shalt  }
0x40: {  	_ =	shalt  }
0x41: {  	_ =	shalt  }
0x42: {  	_ =	shalt  }
0x43: {  	_ =	shalt  }
0x44: {  	_ =	shalt  }
0x45: {  	_ =	shalt  }
0x46: {  	_ =	shalt  }
0x47: {  	_ =	shalt  }
0x48: {  	_ =	shalt  }
0x49: {  	_ =	shalt  }
0x4a: {  	_ =	shalt  }
0x4b: {  	_ =	shalt  }
0x4c: {  	_ =	shalt  }
0x4d: {  	_ =	shalt  }
0x4e: {  	_ =	shalt  }
0x4f: {  	_ =	shalt  }
0x50: {  	_ =	shalt  }
0x51: {  	_ =	shalt  }
0x52: {  	_ =	shalt  }
0x53: {  	_ =	shalt  }
0x54: {  	_ =	shalt  }
0x55: {  	_ =	shalt  }
0x56: {  	_ =	shalt  }
0x57: {  	_ =	shalt  }
0x58: {  	_ =	shalt  }
0x59: {  	_ =	shalt  }
0x5a: {  	_ =	shalt  }
0x5b: {  	_ =	shalt  }
0x5c: {  	_ =	shalt  }
0x5d: {  	_ =	shalt  }
0x5e: {  	_ =	shalt  }
0x5f: {  	_ =	shalt  }
0x60: {  	_ =	shalt  }
0x61: {  	_ =	shalt  }
0x62: {  	_ =	shalt  }
0x63: {  	_ =	shalt  }
0x64: {  	_ =	shalt  }
0x65: {  	_ =	shalt  }
0x66: {  	_ =	shalt  }
0x67: {  	_ =	shalt  }
0x68: {  	_ =	shalt  }
0x69: {  	_ =	shalt  }
0x6a: {  	_ =	shalt  }
0x6b: {  	_ =	shalt  }
0x6c: {  	_ =	shalt  }
0x6d: {  	_ =	shalt  }
0x6e: {  	_ =	shalt  }
0x6f: {  	_ =	shalt  }
0x70: {  	_ =	shalt  }
0x71: {  	_ =	shalt  }
0x72: {  	_ =	shalt  }
0x73: {  	_ =	shalt  }
0x74: {  	_ =	shalt  }
0x75: {  	_ =	shalt  }
0x76: {  	_ =	shalt  }
0x77: {  	_ =	shalt  }
0x78: {  	_ =	shalt  }
0x79: {  	_ =	shalt  }
0x7a: {  	_ =	shalt  }
0x7b: {  	_ =	shalt  }
0x7c: {  	_ =	shalt  }
0x7d: {  	_ =	shalt  }
0x7e: {  	_ =	shalt  }
0x7f: {  	_ =	shalt  }
0x80: {  	_ =	shalt  }
0x81: {  	_ =	shalt  }
0x82: {  	_ =	shalt  }
0x83: {  	_ =	shalt  }
0x84: {  	_ =	shalt  }
0x85: {  	_ =	shalt  }
0x86: {  	_ =	shalt  }
0x87: {  	_ =	shalt  }
.Lfunc_end0:
.L_simem_size_0:
called_computation.2_lowered:
.L_overlay_start_0:
0x88: {  	s2 =	sld [smem:$0x3FD9]  }
0x89: {  	s3 =	sld [smem:$0x3FFE];
	_ =	sdelay $0x1  }
0x8a: {  	s1 =	srdreg.scid  }
0x8b: {  	s0 =	sand.u32 $0x1, s1  }
0x8c: {  	s16 =	sshll.u32 s0, $0xA;
	s2 =	sadd.s32 s3, s2  }
0x8d: {  	s2 =	sadd.s32 s2, s16  }
0x8e: {  	[smem:$0x3FBF] =	sst s2  }
0x8f: {  	_ = 	snop  }
0x90: {  	(tm) =	ssettm $0x1  }
0x91: {  	s17 =	sld [smem:$0x3FFB];
	_ =	sdelay $0x3  }
0x92: {  	_ =	strace s17  }
0x93: {  	s2 =	sld [smem:$0x3FFC];
	_ =	sdelay $0x3  }
0x94: {  	_ =	strace s2  }
0x95: {  	s2 =	sld [smem:$0x3FFD];
	_ =	sdelay $0x3  }
0x96: {  	_ =	strace s2  }
0x97: {  	_ =	strace $0x8FFFFFFF  }
0x98: {  	s18 =	sld [smem:$0x3FDB];
	_ =	sdelay $0x1  }
0x99: {  	s19 =	simm.s32 $_scs_section_size  }
0x9a: {  	s4 =	simm.s32 $_size__tile_overlayer_lowered;
	s5 =	simm.s32 $_tile_overlayer_lowered  }
0x9b: {  	s22 =	simm.s32 $0x1BFF;
	s21 =	sshll.u32 s5, $0x1;
	s2 =	sadd.s32 s19, s18  }
0x9c: {  	s6 =	simm.s32 $0x0;
	s20 =	sshll.u32 s4, $0x1;
	s4 =	sadd.s32 s21, s2  }
0x9d: {  	[timem:s6], [sflag:s22] =	dma.local [hbm:s4], s20  }
0x9e: {  	_ =	swait.ge [sflag:s22], s20  }
0x9f: {  	s3 =	ssub.s32 $0x0, s20;
	[sflag:s22] =	ssyncset.done $0x0  }
0xa0: {  	[sflag:s22] =	ssyncadd.s32 s3;
	_ =	sdelay $0x1  }
0xa1: {  	s23 =	simm.s32 $0x1B8B  }
0xa2: {  	_ =	swait.ge [sflag:s23], $0x1  }
0xa3: {  	[sflag:s23] =	ssyncset.done $0x0  }
0xa4: {  	s25 =	simm.s32 $0x1B8E;
	s24 =	sld [smem:$0x3FFE];
	[sflag:s23] =	ssyncadd.s32 $0xFFFFFFFF  }
0xa5: {  	s26 =	simm.s32 $execute0_lowered;
	[smem:$0x3FD2] =	sst s25  }
0xa6: {  	s4 =	sshll.u32 s26, $0x1;
	_ =	strace $0x8000004C;
	[dreg:$0x1] =	wrdreg $0xFFFFFFFF  }
0xa7: {  	s28 =	simm.s32 $_size_execute0_lowered;
	s2 =	sadd.s32 s2, s4;
	[dreg:$0x0] =	wrdreg $0x0  }
0xa8: {  	s4 =	sshll.u32 s28, $0x1;
	[dreg:$0x2] =	wrdreg s2  }
0xa9: {  	[dreg:$0x3] =	wrdreg s4  }
0xaa: {  	[dreg:$0x4] =	wrdreg $0xC0  }
0xab: {  	_ =	task [dreg:s6], $0x5FFFF  }
0xac: {  	[dreg:$0x1] =	wrdreg $0xFFFFFFFF  }
0xad: {  	[dreg:$0x0] =	wrdreg $0x60  }
0xae: {  	[dreg:$0x2] =	wrdreg s24  }
0xaf: {  	[dreg:$0x3] =	wrdreg $0x120000  }
0xb0: {  	[dreg:$0x4] =	wrdreg $0x9  }
0xb1: {  	_ =	task.clear_ibuf [dreg:s6], $0x5FFFF;
	_ =	strace $0x9000004C  }
0xb2: {  	s29 =	simm.s32 $0x9;
	_ =	strace $0x8000004E  }
0xb3: {  	_ =	swait.ge [sflag:s29], $0x1  }
0xb4: {  	[sflag:s29] =	ssyncadd.s32 $0xFFFFFFFF  }
0xb5: {  	_ =	strace $0x9000004E  }
0xb6: {  	_ =	sfence  }
0xb7: {  	s30 =	sld [smem:$0x0];
	_ =	sdelay $0x2  }
0xb8: {  	s31 =	sshll.u32 s1, $0xD;
	s1 =	sshrl.u32 s1, $0x2  }
0xb9: {  	s3 =	sand.u32 $0x4000, s31;
	s1 =	sadd.s32 s1, s30  }
0xba: {  	s0 =	sor.u32 s3, s0;
	s1 =	sshll.u32 s1, $0x11  }
0xbb: {  	s0 =	sor.u32 s1, s0  }
0xbc: {  	s0 =	sadd.s32 $0x8F2B, s0  }
0xbd: {  	[sflag:s0] =	ssyncadd.remote.s32 $0x1  }
0xbe: {  	_ =	sfence.sel $0xFFFF  }
0xbf: {  	[dreg:$0x0] =	wrdreg $0xFFFFFFFF;
	(pc) =	sbr.abs _section_cstart, $3  }
0xc0: {  	[dreg:$0x1] =	wrdreg $0xFFFFFFFF  }
0xc1: {  	_ =	task.clear_ibuf [dreg:s6], $0x2FFFF;
	_ =	strace $0x9FFFFFFF  }
0xc2: {  	(tm) =	ssettm $0x7FFFFFFF  }
0xc3: {  	_ =	shalt  }
tec
execute0_lowered:
.L_overlay_start_1:
0x0: {  	(tag) =	ssettag $0x1  }
0x1: {  	s0 =	srdreg.scid  }
0x2: {  	s5 =	sand.u32 $0x1, s0;
	s0 =	stileid.u32  }
0x3: {  	s7 =	smul.u32 $0xA00, s0  }
0x4: {  	s6 =	rddreg [dreg:$0x0];
	s9 =	smul.u32 $0x14000, s5  }
0x5: {  	s2 =	rddreg [dreg:$0x1];
	s3 =	simm.s32 $0x0;
	s10 =	smul.u32 $0x1400, s0  }
0x6: {  	s15 =	simm.s32 $0x1;
	s17 =	simm.s32 $0x0;
	s11 =	smul.u32 $0x1480, s0  }
0x7: {  	[smem:$0x7FF] =	sst s3;
	s1 =	sshll.u32 s5, $0x4;
	s28 =	smul.u32 $0x29000, s0  }
0x8: {  	s5 =	ssub.s32 $0x2, s5;
	s12 =	smul.u32 $0x28000, s0;
	s30 =	sshll.u32 s0, $0x6  }
0x9: {  	s4 =	sor.u32 s0, s1;
	s1 =	rddreg [dreg:$0x2];
	_ =	strace $0x8000004D  }
0xa: {  	s29 =	sshrl.u32 s5, $0x1;
	s8 =	smul.u32 $0xA00, s4;
	s4 =	sadd.s32 $0x20E00, s6  }
0xb: {  	s7 =	sadd.s32 s7, s6;
	s9 =	sadd.s32 s10, s9;
	s11 =	sadd.s32 s11, s6  }
0xc: {  	s10 =	sshrl.u32 s28, $0x2;
	s13 =	ssub.s32 s5, s29;
	s31 =	sshrl.u32 s12, $0x2  }
0xd: {  	s12 =	simm.s32 $0x2;
	s9 =	sadd.s32 s9, s6;
	s14 =	sadd.s32 s10, s2  }
0xe: {  	s5 =	sadd.s32 $0x48E00, s11;
	s7 =	sadd.s32 $0x2E00, s7;
	s16 =	sadd.s32 s31, s2  }
0xf: {  	s10 =	smax.u32 s13, $0x1;
	s13 =	simm.s32 $0x80;
	s8 =	sadd.s32 s8, s6  }
0x10: {  	s6 =	sor.u32 $0x1C02, s30;
	s9 =	sadd.s32 $0x5D600, s9;
	s11 =	sshrl.u32 s14, $0x3  }
0x11: {  	s14 =	simm.s32 $0xA000;
	s16 =	sshrl.u32 s16, $0x3;
	s8 =	sadd.s32 $0xCE00, s8  }
.LBB2_1:
0x12: {  	[spmem:s11], [sflag:s6] =	dma.local [hbm:s5], $0x1480  }
0x13: {  	_ =	swait.ge [sflag:s12], $0x1480  }
0x14: {  	[sflag:s12] =	ssyncset.done $0x0  }
0x15: {  	[sflag:s12] =	ssyncadd.s32 $0xFFFFEB80  }
0x16: {  	[tilespmem:s3], [sflag:$0x2] =	stream.linear.gather [hbm4b:s7+s3], $0x5000, $0x38;
	[tilespmem:$0x1C400] =	vst v63  }
0x17: {  	_ =	swait.ge [sflag:s12], $0x5000  }
0x18: {  	[sflag:s12] =	ssyncset.done $0x0  }
0x19: {  	s19 =	simm.s32 $0x5000;
	[sflag:s12] =	ssyncadd.s32 $0xFFFFB000  }
0x1a: {  	[tilespmem:s19], [sflag:$0x2] =	stream.linear.gather [hbm4b:s8+s3], $0x5000, $0x38;
	[tilespmem:$0x1C400] =	vst v63  }
0x1b: {  	_ =	swait.ge [sflag:s12], $0x5000  }
0x1c: {  	[sflag:s12] =	ssyncset.done $0x0  }
0x1d: {  	s18 =	simm.s32 $0x4000;
	[sflag:s12] =	ssyncadd.s32 $0xFFFFB000  }
0x1e: {  	s21 =	smin.u32 s15, $0x9F;
	s20 =	sand.u32 $0x4000, s18;
	[bflag:$0x0] =	sbarrier.arrive $0xFFFF  }
0x1f: {  	[tilespmem:s14], [sflag:$0x1] =	stream.indirect.gather [hbm4b:s4+s13], $0x80, s3, s13, $0xb8;
	[tilespmem:$0x1C400] =	vst v63  }
0x20: {  	s21 =	sshll.u32 s21, $0x7;
	s20 =	sor.u32 $0xA000, s20  }
0x21: {  	[tilespmem:s20], [sflag:$0x1] =	stream.indirect.gather [hbm4b:s4+s13], $0x80, s21, s13, $0xb8;
	[tilespmem:$0x1C400] =	vst v63  }
0x22: {  	_ =	swait.ge [sflag:s15], $0x4000  }
0x23: {  	s22 =	simm.s32 $0x8000;
	s30 =	sand.u32 $0x4000, s3;
	[sflag:s15] =	ssyncset.done $0x0  }
0x24: {  	s31 =	sand.u32 $0x4000, s22;
	s20 =	sor.u32 $0xA000, s30;
	[sflag:s15] =	ssyncadd.s32 $0xFFFFC000  }
0x25: {  	[spmem:s2] =	stream.indirect.scatter.add.f32 [tilespmem:s20], [sflag:$0x2], $0x80, s19, s13, $0xb8;
	[tilespmem:$0x1C400] =	vst v63  }
0x26: {  	s21 =	sor.u32 $0xA000, s31;
	s20 =	simm.s32 $0x2;
	_ =	swait.ge [sflag:s12], $0x4000  }
0x27: {  	s19 =	simm.s32 $0x5080;
	s23 =	smin.u32 s20, $0x9F;
	[sflag:s12] =	ssyncset.done $0x0  }
.LBB2_2:
0x28: {  	s23 =	sshll.u32 s23, $0x7;
	[sflag:s12] =	ssyncadd.s32 $0xFFFFC000  }
0x29: {  	s24 =	smov.u32 s22;
	s25 =	sadd.s32 $0x4000, s22;
	s18 =	sand.u32 $0x4000, s18  }
0x2a: {  	[tilespmem:s21], [sflag:$0x1] =	stream.indirect.gather [hbm4b:s4+s13], $0x80, s23, s13, $0xb8;
	[tilespmem:$0x1C400] =	vst v63  }
0x2b: {  	p0 =	sne.s32 s22, $0x27C000;
	s21 =	sand.u32 $0x4000, s25;
	_ =	swait.ge [sflag:s15], $0x4000  }
.Ltmp0:
0x2c: {  	s21 =	sor.u32 $0xA000, s21;
	[sflag:s15] =	ssyncset.done $0x0;
	(pc) =	sbr.rel @p0 .LBB2_2-.Ltmp0, $4  }
0x2d: {  	s20 =	sadd.s32 $0x1, s20;
	s18 =	sor.u32 $0xA000, s18;
	[sflag:s15] =	ssyncadd.s32 $0xFFFFC000  }
0x2e: {  	[spmem:s2] =	stream.indirect.scatter.add.f32 [tilespmem:s18], [sflag:$0x2], $0x80, s19, s13, $0xb8;
	[tilespmem:$0x1C400] =	vst v63  }
0x2f: {  	s23 =	smin.u32 s20, $0x9F;
	s18 =	smov.u32 s24;
	_ =	swait.ge [sflag:s12], $0x4000  }
0x30: {  	s22 =	smov.u32 s25;
	s19 =	sadd.s32 $0x80, s19;
	[sflag:s12] =	ssyncset.done $0x0  }
0x31: {  	s20 =	sshll.u32 s23, $0x7;
	[sflag:s12] =	ssyncadd.s32 $0xFFFFC000  }
0x32: {  	[tilespmem:s21], [sflag:$0x1] =	stream.indirect.gather [hbm4b:s4+s13], $0x80, s20, s13, $0xb8;
	[tilespmem:$0x1C400] =	vst v63  }
0x33: {  	_ =	swait.ge [sflag:s15], $0x4000  }
0x34: {  	s18 =	sand.u32 $0x4000, s18;
	[sflag:s15] =	ssyncset.done $0x0  }
0x35: {  	s18 =	sor.u32 $0xA000, s18;
	[sflag:s15] =	ssyncadd.s32 $0xFFFFC000  }
0x36: {  	[spmem:s2] =	stream.indirect.scatter.add.f32 [tilespmem:s18], [sflag:$0x2], $0x80, s19, s13, $0xb8;
	[tilespmem:$0x1C400] =	vst v63  }
0x37: {  	_ =	swait.ge [sflag:s12], $0x4000  }
0x38: {  	[sflag:s12] =	ssyncset.done $0x0  }
0x39: {  	[sflag:s12] =	ssyncadd.s32 $0xFFFFC000  }
0x3a: {  	_ =	swait.ge [sflag:s15], $0x4000  }
0x3b: {  	s17 =	sadd.s32 $0x1, s17;
	[sflag:s15] =	ssyncset.done $0x0  }
0x3c: {  	p0 =	sne.s32 s17, s10;
	[sflag:s15] =	ssyncadd.s32 $0xFFFFC000  }
.Ltmp1:
0x3d: {  	[bflag:$0x0] =	sbarrier.arrive $0xFFFF;
	(pc) =	sbr.rel @p0 .LBB2_1-.Ltmp1, $4  }
0x3e: {  	[hbm:s9], [sflag:s6] =	dma.local [spmem:s16], $0x1400  }
0x3f: {  	_ =	swait.ge [sflag:s12], $0x1400  }
0x40: {  	[sflag:s12] =	ssyncset.done $0x0  }
0x41: {  	[sflag:s12] =	ssyncadd.s32 $0xFFFFEC00  }
0x42: {  	_ =	sfence.sel $0x180000  }
0x43: {  	[bflag:$0x0] =	sbarrier.arrive $0xFFFF  }
0x44: {  	p0 =	sne.s32 s0, $0x0;
	_ =	strace $0x9000004D  }
0x45: {  	s0 =	sadd.s32 @!p0 $0x100000, s1;
	[bflag:$0x2] =	sbarrier.arrive $0xFFFF  }
0x46: {  	[sflag:s0] =	ssyncadd.tile.s32 @!p0 $0x1;
	_ =	shalt  }
.Lfunc_end2:
_tile_overlayer_lowered:
.L_overlay_start_2:
0x47: {  	(tag) =	ssettag $0x2  }
0x48: {  	s0 =	rddreg [dreg:$0x0];
	s2 =	stileid.u32  }
0x49: {  	s1 =	rddreg [dreg:$0x1];
	p0 =	sne.s32 s2, $0x0  }
0x4a: {  	s3 =	rddreg [dreg:$0x2];
	[bflag:$0x3] =	sbarrier.arrive $0xFFFF;
	s2 =	simm.s32 @!p0 $0x1C02  }
0x4b: {  	[timem:s3], [sflag:s2] =	dma.local @!p0 [hbm:s0], s1  }
0x4c: {  	s0 =	simm.s32 @!p0 $0x2  }
0x4d: {  	_ =	swait.ge @!p0 [sflag:s0], s1  }
0x4e: {  	s1 =	ssub.s32 @!p0 $0x0, s1;
	[sflag:s0] =	ssyncset.done @!p0 $0x0  }
0x4f: {  	[sflag:s0] =	ssyncadd.s32 @!p0 s1  }
0x50: {  	[bflag:$0x3] =	sbarrier.arrive $0xFFFF  }
0x51: {  	_ =	shalt  }

// kernel: kernel.19.cloned.1.call-start
scs
__scs_entry_jumppad:
0x0: {  	(pc) =	sbr.rel $0x88, $3  }
0x1: {  	(tag) =	ssettag $0x0;
	lr =	simm.s32 $0x1  }
0x2: {  	[smem:$0x3F98] =	sst lr;
	_ =	strace $0xD0000000  }
0x3: {  	_ = 	snop  }
0x4: {  	_ = 	snop  }
0x5: {  	_ = 	snop  }
0x6: {  	_ = 	snop  }
0x7: {  	_ = 	snop  }
__scs_overlays_trampoline_lowered:
0x8: {  	[smem:$0x3FA7] =	sst s0  }
0x9: {  	[smem:$0x3FA8] =	sst s1  }
0xa: {  	[smem:$0x3FA9] =	sst s2  }
0xb: {  	[smem:$0x3FAA] =	sst s3  }
0xc: {  	[smem:$0x3FAB] =	sst s4  }
0xd: {  	[smem:$0x3FAC] =	sst s5  }
0xe: {  	[smem:$0x3FAD] =	sst s6  }
0xf: {  	[smem:$0x3FAE] =	sst s7  }
0x10: {  	[smem:$0x3FAF] =	sst s8  }
0x11: {  	[smem:$0x3FB0] =	sst s9;
	s0 =	simm.s32 @!p0 $0x0  }
0x12: {  	s1 =	sld [smem:$0x3F96];
	s0 =	simm.s32 @p0 $0x1  }
0x13: {  	[smem:$0x3FB1] =	sst s0;
	s0 =	simm.s32 @!p1 $0x0  }
0x14: {  	s2 =	sld [smem:$0x3F95];
	s0 =	simm.s32 @p1 $0x1  }
0x15: {  	[smem:$0x3FB2] =	sst s0;
	s0 =	simm.s32 @!p2 $0x0  }
0x16: {  	s3 =	sld [smem:$0x3FDB];
	s0 =	simm.s32 @p2 $0x1  }
0x17: {  	s4 =	simm.s32 $0x1BF5;
	[smem:$0x3FB4] =	sst s0  }
0x18: {  	s0 =	sld [smem:$0x3F97];
	_ =	swait.ge [sflag:s4], $0x0  }
0x19: {  	s7 =	sld [smem:$0x3F98]  }
0x1a: {  	s8 =	sadd.s32 $0xFFFFE003, lr  }
0x1b: {  	s9 =	sadd.s32 $0xFFFFFEF7, lr;
	s5 =	simm.s32 $0xFFFFFFFF;
	p2 =	slt.u32 s8, $0xFFFFF086  }
0x1c: {  	p1 =	slt.u32 s9, $0xF7A;
	s5 =	simm.s32 @!p2 $0x0  }
0x1d: {  	s5 =	simm.s32 @p1 $0x1;
	p0 =	seq.s32 s7, s2  }
0x1e: {  	s7 =	smul.u32 @!p0 $0xF7A, s2;
	p2 =	seq.s32 @!p0 s5, $0x0  }
0x1f: {  	s9 =	smul.u32 $0xF7A, s1;
	s8 =	simm.s32 @!p0 $0x1BF5;
	p2 =	por !p2, p0  }
0x20: {  	[sflag:s8] =	ssyncset.s32 @!p0 $0xFFFFF086;
	s6 =	sadd.s32 @!p0 s3, s7;
	s7 =	simm.s32 @!p0 $0x108  }
0x21: {  	s3 =	sadd.s32 s3, s9;
	s6 =	sadd.s32 @!p0 $0x88, s6;
	s7 =	simm.s32 @p2 $0x1082  }
0x22: {  	[simem:s7], [sflag:s8] =	dma.local @!p0 [hbm:s6], $0xF7A  }
0x23: {  	s9 =	sor.u32 $0xD0000000, s2;
	s6 =	simm.s32 $0x108;
	_ =	swait.ge @!p0 [sflag:s8], $0x0  }
0x24: {  	s3 =	sadd.s32 $0x88, s3;
	s6 =	simm.s32 @!p1 $0x1082;
	[sflag:s4] =	ssyncset.s32 $0xFFFFF086  }
0x25: {  	[simem:s6], [sflag:s4] =	dma.local [hbm:s3], $0xF7A  }
0x26: {  	[smem:$0x3F98] =	sst s1;
	(tag) =	ssettag s2;
	_ =	strace s9  }
0x27: {  	s1 =	sld [smem:$0x3FA8]  }
0x28: {  	s2 =	sld [smem:$0x3FA9]  }
0x29: {  	s4 =	sld [smem:$0x3FAB]  }
0x2a: {  	p0 =	seq.s32 s5, $0x0;
	s5 =	sld [smem:$0x3FAC]  }
0x2b: {  	s6 =	sld [smem:$0x3FAD]  }
0x2c: {  	s7 =	sld [smem:$0x3FAE]  }
0x2d: {  	s3 =	simm.s32 $0x108;
	s8 =	sld [smem:$0x3FAF]  }
0x2e: {  	s3 =	simm.s32 @!p0 $0x1082;
	s9 =	sld [smem:$0x3FB0]  }
0x2f: {  	lr =	sadd.s32 s0, s3;
	s0 =	sld [smem:$0x3FA7]  }
0x30: {  	s3 =	sld [smem:$0x3FAA]  }
0x31: {  	[smem:$0x3FB3] =	sst s10  }
0x32: {  	s10 =	sld [smem:$0x3FB1];
	_ =	sdelay $0x3  }
0x33: {  	p0 =	seq.s32 s10, $0x1;
	s10 =	sld [smem:$0x3FB3];
	_ =	sdelay $0x3  }
0x34: {  	[smem:$0x3FB3] =	sst s10  }
0x35: {  	s10 =	sld [smem:$0x3FB2];
	_ =	sdelay $0x3  }
0x36: {  	p1 =	seq.s32 s10, $0x1;
	s10 =	sld [smem:$0x3FB3];
	_ =	sdelay $0x3  }
0x37: {  	[smem:$0x3FB3] =	sst s10  }
0x38: {  	s10 =	sld [smem:$0x3FB4]  }
0x39: {  	_ = 	snop;
	(pc) =	sbr.ind lr, $3  }
0x3a: {  	_ = 	snop  }
0x3b: {  	_ = 	snop  }
0x3c: {  	p2 =	seq.s32 s10, $0x1;
	s10 =	sld [smem:$0x3FB3]  }
0x3d: {  	_ =	shalt  }
0x3e: {  	_ =	shalt  }
0x3f: {  	_ =	shalt  }
0x40: {  	_ =	shalt  }
0x41: {  	_ =	shalt  }
0x42: {  	_ =	shalt  }
0x43: {  	_ =	shalt  }
0x44: {  	_ =	shalt  }
0x45: {  	_ =	shalt  }
0x46: {  	_ =	shalt  }
0x47: {  	_ =	shalt  }
0x48: {  	_ =	shalt  }
0x49: {  	_ =	shalt  }
0x4a: {  	_ =	shalt  }
0x4b: {  	_ =	shalt  }
0x4c: {  	_ =	shalt  }
0x4d: {  	_ =	shalt  }
0x4e: {  	_ =	shalt  }
0x4f: {  	_ =	shalt  }
0x50: {  	_ =	shalt  }
0x51: {  	_ =	shalt  }
0x52: {  	_ =	shalt  }
0x53: {  	_ =	shalt  }
0x54: {  	_ =	shalt  }
0x55: {  	_ =	shalt  }
0x56: {  	_ =	shalt  }
0x57: {  	_ =	shalt  }
0x58: {  	_ =	shalt  }
0x59: {  	_ =	shalt  }
0x5a: {  	_ =	shalt  }
0x5b: {  	_ =	shalt  }
0x5c: {  	_ =	shalt  }
0x5d: {  	_ =	shalt  }
0x5e: {  	_ =	shalt  }
0x5f: {  	_ =	shalt  }
0x60: {  	_ =	shalt  }
0x61: {  	_ =	shalt  }
0x62: {  	_ =	shalt  }
0x63: {  	_ =	shalt  }
0x64: {  	_ =	shalt  }
0x65: {  	_ =	shalt  }
0x66: {  	_ =	shalt  }
0x67: {  	_ =	shalt  }
0x68: {  	_ =	shalt  }
0x69: {  	_ =	shalt  }
0x6a: {  	_ =	shalt  }
0x6b: {  	_ =	shalt  }
0x6c: {  	_ =	shalt  }
0x6d: {  	_ =	shalt  }
0x6e: {  	_ =	shalt  }
0x6f: {  	_ =	shalt  }
0x70: {  	_ =	shalt  }
0x71: {  	_ =	shalt  }
0x72: {  	_ =	shalt  }
0x73: {  	_ =	shalt  }
0x74: {  	_ =	shalt  }
0x75: {  	_ =	shalt  }
0x76: {  	_ =	shalt  }
0x77: {  	_ =	shalt  }
0x78: {  	_ =	shalt  }
0x79: {  	_ =	shalt  }
0x7a: {  	_ =	shalt  }
0x7b: {  	_ =	shalt  }
0x7c: {  	_ =	shalt  }
0x7d: {  	_ =	shalt  }
0x7e: {  	_ =	shalt  }
0x7f: {  	_ =	shalt  }
0x80: {  	_ =	shalt  }
0x81: {  	_ =	shalt  }
0x82: {  	_ =	shalt  }
0x83: {  	_ =	shalt  }
0x84: {  	_ =	shalt  }
0x85: {  	_ =	shalt  }
0x86: {  	_ =	shalt  }
0x87: {  	_ =	shalt  }
.Lfunc_end0:
.L_simem_size_0:
called_computation.3_lowered:
.L_overlay_start_0:
0x88: {  	s2 =	sld [smem:$0x3FD9]  }
0x89: {  	s3 =	sld [smem:$0x3FFE];
	_ =	sdelay $0x1  }
0x8a: {  	s1 =	srdreg.scid  }
0x8b: {  	s0 =	sand.u32 $0x1, s1  }
0x8c: {  	s16 =	sshll.u32 s0, $0xA;
	s2 =	sadd.s32 s3, s2  }
0x8d: {  	s2 =	sadd.s32 s2, s16  }
0x8e: {  	[smem:$0x3FBF] =	sst s2  }
0x8f: {  	_ = 	snop  }
0x90: {  	(tm) =	ssettm $0x1  }
0x91: {  	s17 =	sld [smem:$0x3FFB];
	_ =	sdelay $0x3  }
0x92: {  	_ =	strace s17  }
0x93: {  	s2 =	sld [smem:$0x3FFC];
	_ =	sdelay $0x3  }
0x94: {  	_ =	strace s2  }
0x95: {  	s2 =	sld [smem:$0x3FFD];
	_ =	sdelay $0x3  }
0x96: {  	_ =	strace s2  }
0x97: {  	_ =	strace $0x8FFFFFFF  }
0x98: {  	s18 =	sld [smem:$0x3FDB];
	_ =	sdelay $0x1  }
0x99: {  	s19 =	simm.s32 $_scs_section_size  }
0x9a: {  	s4 =	simm.s32 $_size__tile_overlayer_lowered;
	s5 =	simm.s32 $_tile_overlayer_lowered  }
0x9b: {  	s22 =	simm.s32 $0x1BFF;
	s21 =	sshll.u32 s5, $0x1;
	s2 =	sadd.s32 s19, s18  }
0x9c: {  	s6 =	simm.s32 $0x0;
	s20 =	sshll.u32 s4, $0x1;
	s4 =	sadd.s32 s21, s2  }
0x9d: {  	[timem:s6], [sflag:s22] =	dma.local [hbm:s4], s20  }
0x9e: {  	_ =	swait.ge [sflag:s22], s20  }
0x9f: {  	s3 =	ssub.s32 $0x0, s20;
	[sflag:s22] =	ssyncset.done $0x0  }
0xa0: {  	[sflag:s22] =	ssyncadd.s32 s3;
	_ =	sdelay $0x1  }
0xa1: {  	s23 =	simm.s32 $0x1B8B  }
0xa2: {  	_ =	swait.ge [sflag:s23], $0x1  }
0xa3: {  	[sflag:s23] =	ssyncset.done $0x0  }
0xa4: {  	s25 =	simm.s32 $0x1B8E;
	s24 =	sld [smem:$0x3FFE];
	[sflag:s23] =	ssyncadd.s32 $0xFFFFFFFF  }
0xa5: {  	s26 =	simm.s32 $execute0_lowered;
	[smem:$0x3FD2] =	sst s25  }
0xa6: {  	s4 =	sshll.u32 s26, $0x1;
	_ =	strace $0x8000004F;
	[dreg:$0x1] =	wrdreg $0xFFFFFFFF  }
0xa7: {  	s28 =	simm.s32 $_size_execute0_lowered;
	s2 =	sadd.s32 s2, s4;
	[dreg:$0x0] =	wrdreg $0x0  }
0xa8: {  	s4 =	sshll.u32 s28, $0x1;
	[dreg:$0x2] =	wrdreg s2  }
0xa9: {  	[dreg:$0x3] =	wrdreg s4  }
0xaa: {  	[dreg:$0x4] =	wrdreg $0xC0  }
0xab: {  	_ =	task [dreg:s6], $0x5FFFF  }
0xac: {  	[dreg:$0x1] =	wrdreg $0xFFFFFFFF  }
0xad: {  	[dreg:$0x0] =	wrdreg $0x60  }
0xae: {  	[dreg:$0x2] =	wrdreg s24  }
0xaf: {  	[dreg:$0x3] =	wrdreg $0x120000  }
0xb0: {  	[dreg:$0x4] =	wrdreg $0x9  }
0xb1: {  	_ =	task.clear_ibuf [dreg:s6], $0x5FFFF;
	_ =	strace $0x9000004F  }
0xb2: {  	s29 =	simm.s32 $0x9;
	_ =	strace $0x80000051  }
0xb3: {  	_ =	swait.ge [sflag:s29], $0x1  }
0xb4: {  	[sflag:s29] =	ssyncadd.s32 $0xFFFFFFFF  }
0xb5: {  	_ =	strace $0x90000051  }
0xb6: {  	_ =	sfence  }
0xb7: {  	s30 =	sld [smem:$0x0];
	_ =	sdelay $0x2  }
0xb8: {  	s31 =	sshll.u32 s1, $0xD;
	s1 =	sshrl.u32 s1, $0x2  }
0xb9: {  	s3 =	sand.u32 $0x4000, s31;
	s1 =	sadd.s32 s1, s30  }
0xba: {  	s0 =	sor.u32 s3, s0;
	s1 =	sshll.u32 s1, $0x11  }
0xbb: {  	s0 =	sor.u32 s1, s0  }
0xbc: {  	s0 =	sadd.s32 $0x8F2B, s0  }
0xbd: {  	[sflag:s0] =	ssyncadd.remote.s32 $0x1  }
0xbe: {  	_ =	sfence.sel $0xFFFF  }
0xbf: {  	[dreg:$0x0] =	wrdreg $0xFFFFFFFF;
	(pc) =	sbr.abs _section_cstart, $3  }
0xc0: {  	[dreg:$0x1] =	wrdreg $0xFFFFFFFF  }
0xc1: {  	_ =	task.clear_ibuf [dreg:s6], $0x2FFFF;
	_ =	strace $0x9FFFFFFF  }
0xc2: {  	(tm) =	ssettm $0x7FFFFFFF  }
0xc3: {  	_ =	shalt  }
tec
execute0_lowered:
.L_overlay_start_1:
0x0: {  	(tag) =	ssettag $0x1  }
0x1: {  	s0 =	srdreg.scid  }
0x2: {  	s5 =	sand.u32 $0x1, s0;
	s0 =	stileid.u32  }
0x3: {  	s7 =	smul.u32 $0xA00, s0  }
0x4: {  	s6 =	rddreg [dreg:$0x0];
	s9 =	smul.u32 $0x14000, s5  }
0x5: {  	s2 =	rddreg [dreg:$0x1];
	s3 =	simm.s32 $0x0;
	s10 =	smul.u32 $0x1400, s0  }
0x6: {  	s15 =	simm.s32 $0x1;
	s17 =	simm.s32 $0x0;
	s11 =	smul.u32 $0x1480, s0  }
0x7: {  	[smem:$0x7FF] =	sst s3;
	s1 =	sshll.u32 s5, $0x4;
	s28 =	smul.u32 $0x29000, s0  }
0x8: {  	s5 =	ssub.s32 $0x2, s5;
	s12 =	smul.u32 $0x28000, s0;
	s30 =	sshll.u32 s0, $0x6  }
0x9: {  	s4 =	sor.u32 s0, s1;
	s1 =	rddreg [dreg:$0x2];
	_ =	strace $0x80000050  }
0xa: {  	s29 =	sshrl.u32 s5, $0x1;
	s8 =	smul.u32 $0xA00, s4;
	s4 =	sadd.s32 $0x20E00, s6  }
0xb: {  	s7 =	sadd.s32 s7, s6;
	s9 =	sadd.s32 s10, s9;
	s11 =	sadd.s32 s11, s6  }
0xc: {  	s10 =	sshrl.u32 s28, $0x2;
	s13 =	ssub.s32 s5, s29;
	s31 =	sshrl.u32 s12, $0x2  }
0xd: {  	s12 =	simm.s32 $0x2;
	s9 =	sadd.s32 s9, s6;
	s14 =	sadd.s32 s10, s2  }
0xe: {  	s5 =	sadd.s32 $0x48E00, s11;
	s7 =	sadd.s32 $0x2E00, s7;
	s16 =	sadd.s32 s31, s2  }
0xf: {  	s10 =	smax.u32 s13, $0x1;
	s13 =	simm.s32 $0x80;
	s8 =	sadd.s32 s8, s6  }
0x10: {  	s6 =	sor.u32 $0x1C02, s30;
	s9 =	sadd.s32 $0x5D600, s9;
	s11 =	sshrl.u32 s14, $0x3  }
0x11: {  	s14 =	simm.s32 $0xA000;
	s16 =	sshrl.u32 s16, $0x3;
	s8 =	sadd.s32 $0xCE00, s8  }
.LBB2_1:
0x12: {  	[spmem:s11], [sflag:s6] =	dma.local [hbm:s5], $0x1480  }
0x13: {  	_ =	swait.ge [sflag:s12], $0x1480  }
0x14: {  	[sflag:s12] =	ssyncset.done $0x0  }
0x15: {  	[sflag:s12] =	ssyncadd.s32 $0xFFFFEB80  }
0x16: {  	[tilespmem:s3], [sflag:$0x2] =	stream.linear.gather [hbm4b:s7+s3], $0x5000, $0x38;
	[tilespmem:$0x1C400] =	vst v63  }
0x17: {  	_ =	swait.ge [sflag:s12], $0x5000  }
0x18: {  	[sflag:s12] =	ssyncset.done $0x0  }
0x19: {  	s19 =	simm.s32 $0x5000;
	[sflag:s12] =	ssyncadd.s32 $0xFFFFB000  }
0x1a: {  	[tilespmem:s19], [sflag:$0x2] =	stream.linear.gather [hbm4b:s8+s3], $0x5000, $0x38;
	[tilespmem:$0x1C400] =	vst v63  }
0x1b: {  	_ =	swait.ge [sflag:s12], $0x5000  }
0x1c: {  	[sflag:s12] =	ssyncset.done $0x0  }
0x1d: {  	s18 =	simm.s32 $0x4000;
	[sflag:s12] =	ssyncadd.s32 $0xFFFFB000  }
0x1e: {  	s21 =	smin.u32 s15, $0x9F;
	s20 =	sand.u32 $0x4000, s18;
	[bflag:$0x0] =	sbarrier.arrive $0xFFFF  }
0x1f: {  	[tilespmem:s14], [sflag:$0x1] =	stream.indirect.gather [hbm4b:s4+s13], $0x80, s3, s13, $0xb8;
	[tilespmem:$0x1C400] =	vst v63  }
0x20: {  	s21 =	sshll.u32 s21, $0x7;
	s20 =	sor.u32 $0xA000, s20  }
0x21: {  	[tilespmem:s20], [sflag:$0x1] =	stream.indirect.gather [hbm4b:s4+s13], $0x80, s21, s13, $0xb8;
	[tilespmem:$0x1C400] =	vst v63  }
0x22: {  	_ =	swait.ge [sflag:s15], $0x4000  }
0x23: {  	s22 =	simm.s32 $0x8000;
	s30 =	sand.u32 $0x4000, s3;
	[sflag:s15] =	ssyncset.done $0x0  }
0x24: {  	s31 =	sand.u32 $0x4000, s22;
	s20 =	sor.u32 $0xA000, s30;
	[sflag:s15] =	ssyncadd.s32 $0xFFFFC000  }
0x25: {  	[spmem:s2] =	stream.indirect.scatter.add.f32 [tilespmem:s20], [sflag:$0x2], $0x80, s19, s13, $0xb8;
	[tilespmem:$0x1C400] =	vst v63  }
0x26: {  	s21 =	sor.u32 $0xA000, s31;
	s20 =	simm.s32 $0x2;
	_ =	swait.ge [sflag:s12], $0x4000  }
0x27: {  	s19 =	simm.s32 $0x5080;
	s23 =	smin.u32 s20, $0x9F;
	[sflag:s12] =	ssyncset.done $0x0  }
.LBB2_2:
0x28: {  	s23 =	sshll.u32 s23, $0x7;
	[sflag:s12] =	ssyncadd.s32 $0xFFFFC000  }
0x29: {  	s24 =	smov.u32 s22;
	s25 =	sadd.s32 $0x4000, s22;
	s18 =	sand.u32 $0x4000, s18  }
0x2a: {  	[tilespmem:s21], [sflag:$0x1] =	stream.indirect.gather [hbm4b:s4+s13], $0x80, s23, s13, $0xb8;
	[tilespmem:$0x1C400] =	vst v63  }
0x2b: {  	p0 =	sne.s32 s22, $0x27C000;
	s21 =	sand.u32 $0x4000, s25;
	_ =	swait.ge [sflag:s15], $0x4000  }
.Ltmp0:
0x2c: {  	s21 =	sor.u32 $0xA000, s21;
	[sflag:s15] =	ssyncset.done $0x0;
	(pc) =	sbr.rel @p0 .LBB2_2-.Ltmp0, $4  }
0x2d: {  	s20 =	sadd.s32 $0x1, s20;
	s18 =	sor.u32 $0xA000, s18;
	[sflag:s15] =	ssyncadd.s32 $0xFFFFC000  }
0x2e: {  	[spmem:s2] =	stream.indirect.scatter.add.f32 [tilespmem:s18], [sflag:$0x2], $0x80, s19, s13, $0xb8;
	[tilespmem:$0x1C400] =	vst v63  }
0x2f: {  	s23 =	smin.u32 s20, $0x9F;
	s18 =	smov.u32 s24;
	_ =	swait.ge [sflag:s12], $0x4000  }
0x30: {  	s22 =	smov.u32 s25;
	s19 =	sadd.s32 $0x80, s19;
	[sflag:s12] =	ssyncset.done $0x0  }
0x31: {  	s20 =	sshll.u32 s23, $0x7;
	[sflag:s12] =	ssyncadd.s32 $0xFFFFC000  }
0x32: {  	[tilespmem:s21], [sflag:$0x1] =	stream.indirect.gather [hbm4b:s4+s13], $0x80, s20, s13, $0xb8;
	[tilespmem:$0x1C400] =	vst v63  }
0x33: {  	_ =	swait.ge [sflag:s15], $0x4000  }
0x34: {  	s18 =	sand.u32 $0x4000, s18;
	[sflag:s15] =	ssyncset.done $0x0  }
0x35: {  	s18 =	sor.u32 $0xA000, s18;
	[sflag:s15] =	ssyncadd.s32 $0xFFFFC000  }
0x36: {  	[spmem:s2] =	stream.indirect.scatter.add.f32 [tilespmem:s18], [sflag:$0x2], $0x80, s19, s13, $0xb8;
	[tilespmem:$0x1C400] =	vst v63  }
0x37: {  	_ =	swait.ge [sflag:s12], $0x4000  }
0x38: {  	[sflag:s12] =	ssyncset.done $0x0  }
0x39: {  	[sflag:s12] =	ssyncadd.s32 $0xFFFFC000  }
0x3a: {  	_ =	swait.ge [sflag:s15], $0x4000  }
0x3b: {  	s17 =	sadd.s32 $0x1, s17;
	[sflag:s15] =	ssyncset.done $0x0  }
0x3c: {  	p0 =	sne.s32 s17, s10;
	[sflag:s15] =	ssyncadd.s32 $0xFFFFC000  }
.Ltmp1:
0x3d: {  	[bflag:$0x0] =	sbarrier.arrive $0xFFFF;
	(pc) =	sbr.rel @p0 .LBB2_1-.Ltmp1, $4  }
0x3e: {  	[hbm:s9], [sflag:s6] =	dma.local [spmem:s16], $0x1400  }
0x3f: {  	_ =	swait.ge [sflag:s12], $0x1400  }
0x40: {  	[sflag:s12] =	ssyncset.done $0x0  }
0x41: {  	[sflag:s12] =	ssyncadd.s32 $0xFFFFEC00  }
0x42: {  	_ =	sfence.sel $0x180000  }
0x43: {  	[bflag:$0x0] =	sbarrier.arrive $0xFFFF  }
0x44: {  	p0 =	sne.s32 s0, $0x0;
	_ =	strace $0x90000050  }
0x45: {  	s0 =	sadd.s32 @!p0 $0x100000, s1;
	[bflag:$0x2] =	sbarrier.arrive $0xFFFF  }
0x46: {  	[sflag:s0] =	ssyncadd.tile.s32 @!p0 $0x1;
	_ =	shalt  }
.Lfunc_end2:
_tile_overlayer_lowered:
.L_overlay_start_2:
0x47: {  	(tag) =	ssettag $0x2  }
0x48: {  	s0 =	rddreg [dreg:$0x0];
	s2 =	stileid.u32  }
0x49: {  	s1 =	rddreg [dreg:$0x1];
	p0 =	sne.s32 s2, $0x0  }
0x4a: {  	s3 =	rddreg [dreg:$0x2];
	[bflag:$0x3] =	sbarrier.arrive $0xFFFF;
	s2 =	simm.s32 @!p0 $0x1C02  }
0x4b: {  	[timem:s3], [sflag:s2] =	dma.local @!p0 [hbm:s0], s1  }
0x4c: {  	s0 =	simm.s32 @!p0 $0x2  }
0x4d: {  	_ =	swait.ge @!p0 [sflag:s0], s1  }
0x4e: {  	s1 =	ssub.s32 @!p0 $0x0, s1;
	[sflag:s0] =	ssyncset.done @!p0 $0x0  }
0x4f: {  	[sflag:s0] =	ssyncadd.s32 @!p0 s1  }
0x50: {  	[bflag:$0x3] =	sbarrier.arrive $0xFFFF  }
0x51: {  	_ =	shalt  }

</sc_bundles>
